<compile_context>
chip_gen: v7x
topology: tpu7x:2x2x1
jax: 0.10.2.dev20260603
libtpu: 0.0.44.dev20260713+nightly
codegen_flags: <defaults>
</compile_context>

<pallas_src>
import functools

import jax
import jax.numpy as jnp
from jax import lax
from jax.experimental import pallas as pl
from jax.experimental.pallas import tpu as pltpu
import jax.experimental.pallas.tpu_sc as plsc

N = 10000
E = 320000
D = 128
DE = 16
DIN = 2 * D + DE
H = 512
DO = 3 * D
EPS = 1e-5

NC = 2
NS = 16
NW = NC * NS
EPW = E // NW
CH = 80
NCHUNK = EPW // CH
BE = 1600
GRID_E = E // BE
BN = 1000
GRID_N = N // BN

@functools.cache
def _make_sc_gather():
    mesh = plsc.VectorSubcoreMesh(core_axis_name="c", subcore_axis_name="s")
    return functools.partial(
        pl.kernel,
        out_type=[jax.ShapeDtypeStruct((E, D), jnp.float32),
                  jax.ShapeDtypeStruct((E, D), jnp.float32)],
        mesh=mesh,
        scratch_types=[pltpu.VMEM((NCHUNK, CH), jnp.int32),
                       pltpu.VMEM((NCHUNK, CH), jnp.int32),
                       pltpu.VMEM((2, CH, D), jnp.float32),
                       pltpu.VMEM((2, CH, D), jnp.float32),
                       pltpu.SemaphoreType.DMA((2,)),
                       pltpu.SemaphoreType.DMA((2,))],
    )(_sc_gather_body)


def _sc_gather_body(x_hbm, is_hbm, id_hbm, xs_out, xd_out,
                    is_v, id_v, rs2, rd2, gs, gd):
    wid = lax.axis_index("s") * NC + lax.axis_index("c")
    pltpu.sync_copy(is_hbm.at[wid], is_v)
    pltpu.sync_copy(id_hbm.at[wid], id_v)
    base = wid * EPW
    pltpu.async_copy(x_hbm.at[is_v.at[0]], rs2.at[0], gs.at[0])
    pltpu.async_copy(x_hbm.at[id_v.at[0]], rd2.at[0], gd.at[0])

    def body(j, carry):
        b = lax.rem(j, 2)
        nb = 1 - b
        nj = jnp.minimum(j + 1, NCHUNK - 1)
        pltpu.async_copy(x_hbm.at[is_v.at[nj]], rs2.at[nb], gs.at[nb])
        pltpu.async_copy(x_hbm.at[id_v.at[nj]], rd2.at[nb], gd.at[nb])
        off = base + j * CH
        pltpu.make_async_copy(x_hbm.at[is_v.at[j]], rs2.at[b], gs.at[b]).wait()
        pltpu.sync_copy(rs2.at[b], xs_out.at[pl.ds(off, CH)])
        pltpu.make_async_copy(x_hbm.at[id_v.at[j]], rd2.at[b], gd.at[b]).wait()
        pltpu.sync_copy(rd2.at[b], xd_out.at[pl.ds(off, CH)])
        return carry

    lax.fori_loop(0, NCHUNK, body, 0)
    bl = NCHUNK % 2
    pltpu.make_async_copy(x_hbm.at[is_v.at[NCHUNK - 1]], rs2.at[bl],
                          gs.at[bl]).wait()
    pltpu.make_async_copy(x_hbm.at[id_v.at[NCHUNK - 1]], rd2.at[bl],
                          gd.at[bl]).wait()


EPT = E // NS
NCHUNK2 = EPT // CH
HALF = 5120
NPR = 5248
RPT = NPR // NS


@functools.cache
def _make_sc_scatter():
    mesh = plsc.VectorSubcoreMesh(core_axis_name="c", subcore_axis_name="s")
    return functools.partial(
        pl.kernel,
        out_type=jax.ShapeDtypeStruct((NC, NPR, D), jnp.float32),
        mesh=mesh,
        scratch_types=[pltpu.VMEM((NCHUNK2, CH), jnp.int32),
                       pltpu.VMEM((NCHUNK2, CH), jnp.int32),
                       pltpu.VMEM((2, CH, D), jnp.float32),
                       pltpu.SemaphoreType.DMA((2,)),
                       pltpu.VMEM_SHARED((NPR, D), jnp.float32)],
    )(_sc_scatter_body)


def _sc_scatter_body(se_hbm, de_hbm, is2, id2, z_hbm, out,
                     is_v, id_v, rv2, sems, acc):
    cid = lax.axis_index("c")
    tid = lax.axis_index("s")
    stripe = pl.ds(tid * RPT, RPT)
    pltpu.sync_copy(z_hbm.at[stripe], acc.at[stripe])
    pltpu.sync_copy(is2.at[cid, tid], is_v)
    pltpu.sync_copy(id2.at[cid, tid], id_v)
    plsc.subcore_barrier()
    base = tid * EPT
    bl = NCHUNK2 % 2

    def add_loop(val_hbm, idx_v):
        pltpu.async_copy(val_hbm.at[pl.ds(base, CH)], rv2.at[0], sems.at[0])

        def body(j, carry):
            b = lax.rem(j, 2)
            nb = 1 - b
            nj = jnp.minimum(j + 1, NCHUNK2 - 1)
            pltpu.async_copy(val_hbm.at[pl.ds(base + nj * CH, CH)],
                             rv2.at[nb], sems.at[nb])
            pltpu.make_async_copy(val_hbm.at[pl.ds(base, CH)],
                                  rv2.at[b], sems.at[b]).wait()
            pltpu.sync_copy(rv2.at[b], acc.at[idx_v.at[j]], add=True)
            return carry

        lax.fori_loop(0, NCHUNK2, body, 0)
        pltpu.make_async_copy(val_hbm.at[pl.ds(base, CH)],
                              rv2.at[bl], sems.at[bl]).wait()

    add_loop(se_hbm, is_v)
    add_loop(de_hbm, id_v)
    plsc.subcore_barrier()
    pltpu.sync_copy(acc.at[stripe], out.at[cid, stripe])


IR = E // D


def _tc_idx_body(i_ref, o_ref):
    i = i_ref[...]
    o_ref[0] = jnp.where(i < HALF, i, HALF)
    o_ref[1] = jnp.where(i >= HALF, i - HALF, HALF)


def _tc_idx(idx):
    return pl.pallas_call(
        _tc_idx_body,
        in_specs=[pl.BlockSpec((2, IR, D), lambda: (0, 0, 0))],
        out_specs=pl.BlockSpec((2, 2, IR, D), lambda: (0, 0, 0, 0)),
        out_shape=jax.ShapeDtypeStruct((2, 2, IR, D), jnp.int32),
    )(idx.reshape(2, IR, D))


def _tc_h_stats_body(xs_ref, e_ref, xd_ref, w1_ref, b1_ref,
                     h_ref, sums_ref, acc_ref):
    i = pl.program_id(0)
    h = (jnp.dot(xs_ref[...].astype(jnp.bfloat16), w1_ref[0:D, :],
                 preferred_element_type=jnp.float32)
         + jnp.dot(e_ref[...].astype(jnp.bfloat16), w1_ref[D:D + DE, :],
                   preferred_element_type=jnp.float32)
         + jnp.dot(xd_ref[...].astype(jnp.bfloat16), w1_ref[D + DE:DIN, :],
                   preferred_element_type=jnp.float32)
         + b1_ref[...])
    h_ref[...] = h.astype(jnp.bfloat16)

    @pl.when(i == 0)
    def _():
        acc_ref[...] = jnp.zeros_like(acc_ref)

    acc_ref[0:1, :] += jnp.sum(h, axis=0, keepdims=True)
    acc_ref[1:2, :] += jnp.sum(h * h, axis=0, keepdims=True)

    @pl.when(i == GRID_E - 1)
    def _():
        sums_ref[...] = acc_ref[...]


def _tc_h_stats(xs, e, xd, w1, b1):
    return pl.pallas_call(
        _tc_h_stats_body,
        grid=(GRID_E,),
        in_specs=[
            pl.BlockSpec((BE, D), lambda i: (i, 0)),
            pl.BlockSpec((BE, DE), lambda i: (i, 0)),
            pl.BlockSpec((BE, D), lambda i: (i, 0)),
            pl.BlockSpec((DIN, H), lambda i: (0, 0)),
            pl.BlockSpec((1, H), lambda i: (0, 0)),
        ],
        out_specs=[
            pl.BlockSpec((BE, H), lambda i: (i, 0)),
            pl.BlockSpec((8, H), lambda i: (0, 0)),
        ],
        out_shape=[jax.ShapeDtypeStruct((E, H), jnp.bfloat16),
                   jax.ShapeDtypeStruct((8, H), jnp.float32)],
        scratch_shapes=[pltpu.VMEM((8, H), jnp.float32)],
    )(xs, e, xd, w1, b1)


def _tc_norm_body(h_ref, sums_ref, g_ref, bt_ref, w2_ref, b2_ref,
                  se_ref, ee_ref, de_ref):
    mean = sums_ref[0:1, :] * (1.0 / E)
    var = sums_ref[1:2, :] * (1.0 / E) - mean * mean
    alpha = g_ref[...] * lax.rsqrt(var + EPS)
    delta = bt_ref[...] - mean * alpha
    hn = jnp.maximum(h_ref[...].astype(jnp.float32) * alpha + delta, 0.0)
    o = (jnp.dot(hn.astype(jnp.bfloat16), w2_ref[...],
                 preferred_element_type=jnp.float32) + b2_ref[...])
    se_ref[...] = o[:, 0:D]
    ee_ref[...] = o[:, D:2 * D]
    de_ref[...] = o[:, 2 * D:3 * D]


def _tc_norm(h, sums, g, bt, w2, b2):
    return pl.pallas_call(
        _tc_norm_body,
        grid=(GRID_E,),
        in_specs=[
            pl.BlockSpec((BE, H), lambda i: (i, 0)),
            pl.BlockSpec((8, H), lambda i: (0, 0)),
            pl.BlockSpec((1, H), lambda i: (0, 0)),
            pl.BlockSpec((1, H), lambda i: (0, 0)),
            pl.BlockSpec((H, DO), lambda i: (0, 0)),
            pl.BlockSpec((1, DO), lambda i: (0, 0)),
        ],
        out_specs=[
            pl.BlockSpec((BE, D), lambda i: (i, 0)),
            pl.BlockSpec((BE, D), lambda i: (i, 0)),
            pl.BlockSpec((BE, D), lambda i: (i, 0)),
        ],
        out_shape=[jax.ShapeDtypeStruct((E, D), jnp.float32),
                   jax.ShapeDtypeStruct((E, D), jnp.float32),
                   jax.ShapeDtypeStruct((E, D), jnp.float32)],
    )(h, sums, g, bt, w2, b2)


def _tc_final_body(p_ref, w3_ref, b3_ref, o_ref):
    o_ref[...] = (jnp.dot(p_ref[...], w3_ref[...],
                          preferred_element_type=jnp.float32)
                  + b3_ref[...])


def _tc_final(p, w3, b3):
    return pl.pallas_call(
        _tc_final_body,
        grid=(GRID_N,),
        in_specs=[
            pl.BlockSpec((BN, D), lambda i: (i, 0)),
            pl.BlockSpec((D, D), lambda i: (0, 0)),
            pl.BlockSpec((1, D), lambda i: (0, 0)),
        ],
        out_specs=pl.BlockSpec((BN, D), lambda i: (i, 0)),
        out_shape=jax.ShapeDtypeStruct((N, D), jnp.float32),
    )(p, w3, b3)


def kernel(node_embedding, edge_embedding, edge_index,
           W1, b1, bn_gamma, bn_beta, W2, b2, W3, b3):
    idx_s3 = edge_index[0].reshape(NW, NCHUNK, CH)
    idx_d3 = edge_index[1].reshape(NW, NCHUNK, CH)
    xs, xd = _make_sc_gather()(node_embedding, idx_s3, idx_d3)
    h, sums = _tc_h_stats(xs, edge_embedding, xd,
                          W1.astype(jnp.bfloat16), b1.reshape(1, H))
    src_e, edg_e, dst_e = _tc_norm(h, sums, bn_gamma.reshape(1, H),
                                   bn_beta.reshape(1, H),
                                   W2.astype(jnp.bfloat16), b2.reshape(1, DO))
    idx2 = _tc_idx(edge_index)
    sh = (NC, NS, NCHUNK2, CH)
    is2 = idx2[:, 0].reshape(sh)
    id2 = idx2[:, 1].reshape(sh)
    zeros_n = jnp.zeros((NPR, D), jnp.float32)
    parts = _make_sc_scatter()(src_e, dst_e, is2, id2, zeros_n)
    p = jnp.concatenate([parts[0, :HALF], parts[1, :N - HALF]], axis=0)
    node_out = _tc_final(p, W3, b3.reshape(1, D))
    return node_out, edg_e

# --- scband reference (transcript-rebuilt; emitter-appended) ---
"""Pipeline reference for scband-graph-convolution-36979668418617 (READ-ONLY COPY).

The authoritative reference and input builder live on the scoring server;
editing this copy changes nothing except your own understanding.
"""

import jax, jax.numpy as jnp
import numpy as np

N_NODES = 10000
N_EDGES = 320000
D = 128
D_EDGE = 16
D_IN = 2 * D + D_EDGE  # 272
H = 512
D_OUT1 = 3 * D  # 384
EPS = 1e-5


def setup_inputs(seed: int = 0) -> dict:
    key = jax.random.key(seed)
    ks = jax.random.split(key, 12)
    node_embedding = jax.random.normal(ks[0], (N_NODES, D), dtype=jnp.float32)
    edge_embedding = jax.random.normal(ks[1], (N_EDGES, D_EDGE), dtype=jnp.float32)
    edge_index = jax.random.randint(ks[2], (2, N_EDGES), 0, N_NODES, dtype=jnp.int32)
    # graph_conv1: Linear(272->512) + BatchNorm1d(512) + ReLU + Linear(512->384)
    W1 = jax.random.normal(ks[3], (D_IN, H), dtype=jnp.float32) * np.sqrt(2.0 / D_IN)
    b1 = jnp.zeros((H,), dtype=jnp.float32)
    bn_gamma = jnp.ones((H,), dtype=jnp.float32)
    bn_beta = jnp.zeros((H,), dtype=jnp.float32)
    W2 = jax.random.normal(ks[4], (H, D_OUT1), dtype=jnp.float32) * np.sqrt(2.0 / H)
    b2 = jnp.zeros((D_OUT1,), dtype=jnp.float32)
    # graph_conv2: Linear(128->128), batch_norm='none', final_nonlinearity=False
    W3 = jax.random.normal(ks[5], (D, D), dtype=jnp.float32) * np.sqrt(2.0 / D)
    b3 = jnp.zeros((D,), dtype=jnp.float32)
    return {
        "node_embedding": node_embedding,
        "edge_embedding": edge_embedding,
        "edge_index": edge_index,
        "W1": W1, "b1": b1, "bn_gamma": bn_gamma, "bn_beta": bn_beta,
        "W2": W2, "b2": b2, "W3": W3, "b3": b3,
    }


def reference(node_embedding, edge_embedding, edge_index, W1, b1, bn_gamma, bn_beta, W2, b2, W3, b3):
    src_nodes = edge_index[0]
    dst_nodes = edge_index[1]
    # triplet = cat([x[src], edge_attr, x[dst]], -1)
    triplet = jnp.concatenate(
        [jnp.take(node_embedding, src_nodes, axis=0),
         edge_embedding,
         jnp.take(node_embedding, dst_nodes, axis=0)], axis=-1)
    # graph_conv1 MLP: Linear -> BatchNorm (training-mode batch stats) -> ReLU -> Linear
    h = triplet @ W1 + b1
    mean = jnp.mean(h, axis=0)
    var = jnp.var(h, axis=0)
    h = (h - mean) / jnp.sqrt(var + EPS) * bn_gamma + bn_beta
    h = jax.nn.relu(h)
    new_triplet = h @ W2 + b2
    dim = D_OUT1 // 3
    src_embed = new_triplet[:, :dim]
    edg_embed = new_triplet[:, dim:2 * dim]
    dst_embed = new_triplet[:, 2 * dim:]
    # scatter_add into per-node accumulator
    new_node_embed = jnp.zeros((N_NODES, dim), dtype=new_triplet.dtype)
    new_node_embed = new_node_embed.at[src_nodes].add(src_embed)
    new_node_embed = new_node_embed.at[dst_nodes].add(dst_embed)
    # graph_conv2
    new_node_embed = new_node_embed @ W3 + b3
    return (new_node_embed, edg_embed)

if __name__ == "__main__":
    import jax
    _d = setup_inputs()
    print(jax.jit(kernel)(*tuple(_d.values())))

</pallas_src>

<mosaic_0001>
#map = affine_map<(d0, d1) -> (0, 0)>
#map1 = affine_map<(d0, d1) -> (0, 0, 0, 0)>
#map2 = affine_map<(d0, d1) -> (0, 0, 0)>
module attributes {stable_mosaic.version = 14 : i64} {
  func.func @_sc_scatter_body(%arg0: i32, %arg1: i32, %arg2: memref<320000x128xf32, #tpu.memory_space<hbm>>, %arg3: memref<320000x128xf32, #tpu.memory_space<hbm>>, %arg4: memref<2x16x250x80xi32, #tpu.memory_space<hbm>>, %arg5: memref<2x16x250x80xi32, #tpu.memory_space<hbm>>, %arg6: memref<5248x128xf32, #tpu.memory_space<hbm>>, %arg7: memref<2x5248x128xf32, #tpu.memory_space<hbm>>, %arg8: memref<250x80xi32, #tpu.memory_space<vmem>>, %arg9: memref<250x80xi32, #tpu.memory_space<vmem>>, %arg10: memref<2x80x128xf32, #tpu.memory_space<vmem>>, %arg11: memref<2x!tpu.dma_semaphore, #tpu.memory_space<semaphore_mem>>, %arg12: memref<5248x128xf32, #tpu.memory_space<vmem_shared>>) attributes {dimension_semantics = [#tpu.dimension_semantics<core_parallel>, #tpu.dimension_semantics<subcore_parallel>], iteration_bounds = array<i64: 2, 16>, scalar_prefetch = 0 : i64, scratch_operands = 5 : i64, tpu.core_type = #tpu.core_type<sc_vector_subcore>, window_params = [{transform_indices = #map}, {transform_indices = #map}, {transform_indices = #map1}, {transform_indices = #map1}, {transform_indices = #map}, {transform_indices = #map2}]} {
    %mul3A = arith.constant 328 : i32
    %mul3A_0 = arith.muli %arg1, %mul3A : i32
    "tpu.region"() ({
      %run_scoped3A = tpu.sem_alloc : memref<!tpu.dma_semaphore, #tpu.memory_space<semaphore_mem>>
      %dma_start3A_77 = arith.constant 0 : i32
      %dma_start3A_78 = tpu.memref_slice %arg12[%mul3A_0, %dma_start3A_77] : memref<5248x128xf32, #tpu.memory_space<vmem_shared>> -> memref<328x128xf32, #tpu.memory_space<vmem_shared>>
      %dma_start3A_79 = arith.constant 0 : i32
      %dma_start3A_80 = tpu.memref_slice %arg6[%mul3A_0, %dma_start3A_79] : memref<5248x128xf32, #tpu.memory_space<hbm>> -> memref<328x128xf32, #tpu.memory_space<hbm>>
      tpu.enqueue_dma source(%dma_start3A_80 : memref<328x128xf32, #tpu.memory_space<hbm>>) target(%dma_start3A_78 : memref<328x128xf32, #tpu.memory_space<vmem_shared>>) target_semaphore(%run_scoped3A : memref<!tpu.dma_semaphore, #tpu.memory_space<semaphore_mem>>)
      %dma_wait3A_81 = arith.constant 0 : i32
      %dma_wait3A_82 = tpu.memref_slice %arg12[%mul3A_0, %dma_wait3A_81] : memref<5248x128xf32, #tpu.memory_space<vmem_shared>> -> memref<328x128xf32, #tpu.memory_space<vmem_shared>>
      %dma_wait3A_83 = arith.constant 0 : i32
      %dma_wait3A_84 = tpu.memref_slice %arg6[%mul3A_0, %dma_wait3A_83] : memref<5248x128xf32, #tpu.memory_space<hbm>> -> memref<328x128xf32, #tpu.memory_space<hbm>>
      tpu.wait_dma2 semaphore(%run_scoped3A : memref<!tpu.dma_semaphore, #tpu.memory_space<semaphore_mem>>) src(%dma_wait3A_84 : memref<328x128xf32, #tpu.memory_space<hbm>>) dst(%dma_wait3A_82 : memref<328x128xf32, #tpu.memory_space<vmem_shared>>)
      tpu.yield
    }) : () -> ()
    "tpu.region"() ({
      %run_scoped3A = tpu.sem_alloc : memref<!tpu.dma_semaphore, #tpu.memory_space<semaphore_mem>>
      %dma_start3A_77 = arith.constant 0 : i32
      %dma_start3A_78 = arith.constant 0 : i32
      %dma_start3A_79 = tpu.memref_slice %arg4[%arg0, %arg1, %dma_start3A_77, %dma_start3A_78] : memref<2x16x250x80xi32, #tpu.memory_space<hbm>> -> memref<1x1x250x80xi32, #tpu.memory_space<hbm>>
      %dma_start3A_80 = tpu.memref_squeeze %dma_start3A_79 : memref<1x1x250x80xi32, #tpu.memory_space<hbm>> -> memref<250x80xi32, #tpu.memory_space<hbm>>
      %dma_start3A_81 = arith.constant 0 : i32
      %dma_start3A_82 = arith.constant 0 : i32
      %dma_start3A_83 = tpu.memref_slice %arg4[%arg0, %arg1, %dma_start3A_81, %dma_start3A_82] : memref<2x16x250x80xi32, #tpu.memory_space<hbm>> -> memref<1x1x250x80xi32, #tpu.memory_space<hbm>>
      %dma_start3A_84 = tpu.memref_squeeze %dma_start3A_83 : memref<1x1x250x80xi32, #tpu.memory_space<hbm>> -> memref<250x80xi32, #tpu.memory_space<hbm>>
      tpu.enqueue_dma source(%dma_start3A_84 : memref<250x80xi32, #tpu.memory_space<hbm>>) target(%arg8 : memref<250x80xi32, #tpu.memory_space<vmem>>) target_semaphore(%run_scoped3A : memref<!tpu.dma_semaphore, #tpu.memory_space<semaphore_mem>>)
      %dma_wait3A_85 = arith.constant 0 : i32
      %dma_wait3A_86 = arith.constant 0 : i32
      %dma_wait3A_87 = tpu.memref_slice %arg4[%arg0, %arg1, %dma_wait3A_85, %dma_wait3A_86] : memref<2x16x250x80xi32, #tpu.memory_space<hbm>> -> memref<1x1x250x80xi32, #tpu.memory_space<hbm>>
      %dma_wait3A_88 = tpu.memref_squeeze %dma_wait3A_87 : memref<1x1x250x80xi32, #tpu.memory_space<hbm>> -> memref<250x80xi32, #tpu.memory_space<hbm>>
      %dma_wait3A_89 = arith.constant 0 : i32
      %dma_wait3A_90 = arith.constant 0 : i32
      %dma_wait3A_91 = tpu.memref_slice %arg4[%arg0, %arg1, %dma_wait3A_89, %dma_wait3A_90] : memref<2x16x250x80xi32, #tpu.memory_space<hbm>> -> memref<1x1x250x80xi32, #tpu.memory_space<hbm>>
      %dma_wait3A_92 = tpu.memref_squeeze %dma_wait3A_91 : memref<1x1x250x80xi32, #tpu.memory_space<hbm>> -> memref<250x80xi32, #tpu.memory_space<hbm>>
      tpu.wait_dma2 semaphore(%run_scoped3A : memref<!tpu.dma_semaphore, #tpu.memory_space<semaphore_mem>>) src(%dma_wait3A_92 : memref<250x80xi32, #tpu.memory_space<hbm>>) dst(%arg8 : memref<250x80xi32, #tpu.memory_space<vmem>>)
      tpu.yield
    }) : () -> ()
    "tpu.region"() ({
      %run_scoped3A = tpu.sem_alloc : memref<!tpu.dma_semaphore, #tpu.memory_space<semaphore_mem>>
      %dma_start3A_77 = arith.constant 0 : i32
      %dma_start3A_78 = arith.constant 0 : i32
      %dma_start3A_79 = tpu.memref_slice %arg5[%arg0, %arg1, %dma_start3A_77, %dma_start3A_78] : memref<2x16x250x80xi32, #tpu.memory_space<hbm>> -> memref<1x1x250x80xi32, #tpu.memory_space<hbm>>
      %dma_start3A_80 = tpu.memref_squeeze %dma_start3A_79 : memref<1x1x250x80xi32, #tpu.memory_space<hbm>> -> memref<250x80xi32, #tpu.memory_space<hbm>>
      %dma_start3A_81 = arith.constant 0 : i32
      %dma_start3A_82 = arith.constant 0 : i32
      %dma_start3A_83 = tpu.memref_slice %arg5[%arg0, %arg1, %dma_start3A_81, %dma_start3A_82] : memref<2x16x250x80xi32, #tpu.memory_space<hbm>> -> memref<1x1x250x80xi32, #tpu.memory_space<hbm>>
      %dma_start3A_84 = tpu.memref_squeeze %dma_start3A_83 : memref<1x1x250x80xi32, #tpu.memory_space<hbm>> -> memref<250x80xi32, #tpu.memory_space<hbm>>
      tpu.enqueue_dma source(%dma_start3A_84 : memref<250x80xi32, #tpu.memory_space<hbm>>) target(%arg9 : memref<250x80xi32, #tpu.memory_space<vmem>>) target_semaphore(%run_scoped3A : memref<!tpu.dma_semaphore, #tpu.memory_space<semaphore_mem>>)
      %dma_wait3A_85 = arith.constant 0 : i32
      %dma_wait3A_86 = arith.constant 0 : i32
      %dma_wait3A_87 = tpu.memref_slice %arg5[%arg0, %arg1, %dma_wait3A_85, %dma_wait3A_86] : memref<2x16x250x80xi32, #tpu.memory_space<hbm>> -> memref<1x1x250x80xi32, #tpu.memory_space<hbm>>
      %dma_wait3A_88 = tpu.memref_squeeze %dma_wait3A_87 : memref<1x1x250x80xi32, #tpu.memory_space<hbm>> -> memref<250x80xi32, #tpu.memory_space<hbm>>
      %dma_wait3A_89 = arith.constant 0 : i32
      %dma_wait3A_90 = arith.constant 0 : i32
      %dma_wait3A_91 = tpu.memref_slice %arg5[%arg0, %arg1, %dma_wait3A_89, %dma_wait3A_90] : memref<2x16x250x80xi32, #tpu.memory_space<hbm>> -> memref<1x1x250x80xi32, #tpu.memory_space<hbm>>
      %dma_wait3A_92 = tpu.memref_squeeze %dma_wait3A_91 : memref<1x1x250x80xi32, #tpu.memory_space<hbm>> -> memref<250x80xi32, #tpu.memory_space<hbm>>
      tpu.wait_dma2 semaphore(%run_scoped3A : memref<!tpu.dma_semaphore, #tpu.memory_space<semaphore_mem>>) src(%dma_wait3A_92 : memref<250x80xi32, #tpu.memory_space<hbm>>) dst(%arg9 : memref<250x80xi32, #tpu.memory_space<vmem>>)
      tpu.yield
    }) : () -> ()
    %barrier3A = arith.constant 0 : index
    tpu.barrier barrier_id(%barrier3A)
    %mul3A_1 = arith.constant 20000 : i32
    %mul3A_2 = arith.muli %arg1, %mul3A_1 : i32
    %dma_start3A = arith.constant 0 : i32
    %dma_start3A_3 = arith.constant 0 : i32
    %dma_start3A_4 = arith.constant 0 : i32
    %dma_start3A_5 = arith.constant 0 : i32
    %dma_start3A_6 = tpu.memref_slice %arg10[%dma_start3A, %dma_start3A_4, %dma_start3A_5] : memref<2x80x128xf32, #tpu.memory_space<vmem>> -> memref<1x80x128xf32, #tpu.memory_space<vmem>>
    %dma_start3A_7 = tpu.memref_squeeze %dma_start3A_6 : memref<1x80x128xf32, #tpu.memory_space<vmem>> -> memref<80x128xf32, #tpu.memory_space<vmem>>
    %dma_start3A_8 = arith.constant 0 : i32
    %dma_start3A_9 = tpu.memref_slice %arg2[%mul3A_2, %dma_start3A_8] : memref<320000x128xf32, #tpu.memory_space<hbm>> -> memref<80x128xf32, #tpu.memory_space<hbm>>
    %dma_start3A_10 = tpu.memref_slice %arg11[%dma_start3A_3] : memref<2x!tpu.dma_semaphore, #tpu.memory_space<semaphore_mem>> -> memref<1x!tpu.dma_semaphore, #tpu.memory_space<semaphore_mem>>
    %dma_start3A_11 = tpu.memref_squeeze %dma_start3A_10 : memref<1x!tpu.dma_semaphore, #tpu.memory_space<semaphore_mem>> -> memref<!tpu.dma_semaphore, #tpu.memory_space<semaphore_mem>>
    %dma_start3A_12 = arith.constant 0 : i32
    %dma_start3A_13 = arith.constant 0 : i32
    %dma_start3A_14 = tpu.memref_slice %arg10[%dma_start3A, %dma_start3A_12, %dma_start3A_13] : memref<2x80x128xf32, #tpu.memory_space<vmem>> -> memref<1x80x128xf32, #tpu.memory_space<vmem>>
    %dma_start3A_15 = tpu.memref_squeeze %dma_start3A_14 : memref<1x80x128xf32, #tpu.memory_space<vmem>> -> memref<80x128xf32, #tpu.memory_space<vmem>>
    %dma_start3A_16 = arith.constant 0 : i32
    %dma_start3A_17 = tpu.memref_slice %arg2[%mul3A_2, %dma_start3A_16] : memref<320000x128xf32, #tpu.memory_space<hbm>> -> memref<80x128xf32, #tpu.memory_space<hbm>>
    tpu.enqueue_dma source(%dma_start3A_17 : memref<80x128xf32, #tpu.memory_space<hbm>>) target(%dma_start3A_15 : memref<80x128xf32, #tpu.memory_space<vmem>>) target_semaphore(%dma_start3A_11 : memref<!tpu.dma_semaphore, #tpu.memory_space<semaphore_mem>>)
    %scan3A = arith.constant 0 : i32
    %scan3A_18 = arith.constant 0 : i32
    %scan3A_19 = arith.constant 250 : i32
    %scan3A_20 = arith.addi %scan3A_18, %scan3A_19 : i32
    %scan3A_21 = arith.constant 1 : i32
    scf.for %scan3A_77 = %scan3A_18 to %scan3A_20 step %scan3A_21  : i32 {
      %rem3A = arith.constant 2 : i32
      %rem3A_78 = arith.remsi %scan3A_77, %rem3A : i32
      %sub3A = arith.constant 1 : i32
      %sub3A_79 = arith.subi %sub3A, %rem3A_78 : i32
      %add3A = arith.constant 1 : i32
      %add3A_80 = arith.addi %scan3A_77, %add3A : i32
      %min3A = arith.constant 249 : i32
      %min3A_81 = arith.minsi %add3A_80, %min3A : i32
      %mul3A_82 = arith.constant 80 : i32
      %mul3A_83 = arith.muli %min3A_81, %mul3A_82 : i32
      %add3A_84 = arith.addi %mul3A_2, %mul3A_83 : i32
      %dma_start3A_85 = arith.constant 0 : i32
      %dma_start3A_86 = arith.constant 0 : i32
      %dma_start3A_87 = tpu.memref_slice %arg10[%sub3A_79, %dma_start3A_85, %dma_start3A_86] : memref<2x80x128xf32, #tpu.memory_space<vmem>> -> memref<1x80x128xf32, #tpu.memory_space<vmem>>
      %dma_start3A_88 = tpu.memref_squeeze %dma_start3A_87 : memref<1x80x128xf32, #tpu.memory_space<vmem>> -> memref<80x128xf32, #tpu.memory_space<vmem>>
      %dma_start3A_89 = arith.constant 0 : i32
      %dma_start3A_90 = tpu.memref_slice %arg2[%add3A_84, %dma_start3A_89] : memref<320000x128xf32, #tpu.memory_space<hbm>> -> memref<80x128xf32, #tpu.memory_space<hbm>>
      %dma_start3A_91 = tpu.memref_slice %arg11[%sub3A_79] : memref<2x!tpu.dma_semaphore, #tpu.memory_space<semaphore_mem>> -> memref<1x!tpu.dma_semaphore, #tpu.memory_space<semaphore_mem>>
      %dma_start3A_92 = tpu.memref_squeeze %dma_start3A_91 : memref<1x!tpu.dma_semaphore, #tpu.memory_space<semaphore_mem>> -> memref<!tpu.dma_semaphore, #tpu.memory_space<semaphore_mem>>
      %dma_start3A_93 = arith.constant 0 : i32
      %dma_start3A_94 = arith.constant 0 : i32
      %dma_start3A_95 = tpu.memref_slice %arg10[%sub3A_79, %dma_start3A_93, %dma_start3A_94] : memref<2x80x128xf32, #tpu.memory_space<vmem>> -> memref<1x80x128xf32, #tpu.memory_space<vmem>>
      %dma_start3A_96 = tpu.memref_squeeze %dma_start3A_95 : memref<1x80x128xf32, #tpu.memory_space<vmem>> -> memref<80x128xf32, #tpu.memory_space<vmem>>
      %dma_start3A_97 = arith.constant 0 : i32
      %dma_start3A_98 = tpu.memref_slice %arg2[%add3A_84, %dma_start3A_97] : memref<320000x128xf32, #tpu.memory_space<hbm>> -> memref<80x128xf32, #tpu.memory_space<hbm>>
      tpu.enqueue_dma source(%dma_start3A_98 : memref<80x128xf32, #tpu.memory_space<hbm>>) target(%dma_start3A_96 : memref<80x128xf32, #tpu.memory_space<vmem>>) target_semaphore(%dma_start3A_92 : memref<!tpu.dma_semaphore, #tpu.memory_space<semaphore_mem>>)
      %dma_wait3A_99 = arith.constant 0 : i32
      %dma_wait3A_100 = arith.constant 0 : i32
      %dma_wait3A_101 = tpu.memref_slice %arg10[%rem3A_78, %dma_wait3A_99, %dma_wait3A_100] : memref<2x80x128xf32, #tpu.memory_space<vmem>> -> memref<1x80x128xf32, #tpu.memory_space<vmem>>
      %dma_wait3A_102 = tpu.memref_squeeze %dma_wait3A_101 : memref<1x80x128xf32, #tpu.memory_space<vmem>> -> memref<80x128xf32, #tpu.memory_space<vmem>>
      %dma_wait3A_103 = arith.constant 0 : i32
      %dma_wait3A_104 = tpu.memref_slice %arg2[%mul3A_2, %dma_wait3A_103] : memref<320000x128xf32, #tpu.memory_space<hbm>> -> memref<80x128xf32, #tpu.memory_space<hbm>>
      %dma_wait3A_105 = tpu.memref_slice %arg11[%rem3A_78] : memref<2x!tpu.dma_semaphore, #tpu.memory_space<semaphore_mem>> -> memref<1x!tpu.dma_semaphore, #tpu.memory_space<semaphore_mem>>
      %dma_wait3A_106 = tpu.memref_squeeze %dma_wait3A_105 : memref<1x!tpu.dma_semaphore, #tpu.memory_space<semaphore_mem>> -> memref<!tpu.dma_semaphore, #tpu.memory_space<semaphore_mem>>
      %dma_wait3A_107 = arith.constant 0 : i32
      %dma_wait3A_108 = arith.constant 0 : i32
      %dma_wait3A_109 = tpu.memref_slice %arg10[%rem3A_78, %dma_wait3A_107, %dma_wait3A_108] : memref<2x80x128xf32, #tpu.memory_space<vmem>> -> memref<1x80x128xf32, #tpu.memory_space<vmem>>
      %dma_wait3A_110 = tpu.memref_squeeze %dma_wait3A_109 : memref<1x80x128xf32, #tpu.memory_space<vmem>> -> memref<80x128xf32, #tpu.memory_space<vmem>>
      %dma_wait3A_111 = arith.constant 0 : i32
      %dma_wait3A_112 = tpu.memref_slice %arg2[%mul3A_2, %dma_wait3A_111] : memref<320000x128xf32, #tpu.memory_space<hbm>> -> memref<80x128xf32, #tpu.memory_space<hbm>>
      tpu.wait_dma2 semaphore(%dma_wait3A_106 : memref<!tpu.dma_semaphore, #tpu.memory_space<semaphore_mem>>) src(%dma_wait3A_112 : memref<80x128xf32, #tpu.memory_space<hbm>>) dst(%dma_wait3A_110 : memref<80x128xf32, #tpu.memory_space<vmem>>)
      "tpu.region"() ({
        %run_scoped3A = tpu.sem_alloc : memref<!tpu.dma_semaphore, #tpu.memory_space<semaphore_mem>>
        %dma_start3A_113 = arith.constant 0 : i32
        %dma_start3A_114 = arith.constant 0 : i32
        %dma_start3A_115 = tpu.memref_slice %arg10[%rem3A_78, %dma_start3A_113, %dma_start3A_114] : memref<2x80x128xf32, #tpu.memory_space<vmem>> -> memref<1x80x128xf32, #tpu.memory_space<vmem>>
        %dma_start3A_116 = tpu.memref_squeeze %dma_start3A_115 : memref<1x80x128xf32, #tpu.memory_space<vmem>> -> memref<80x128xf32, #tpu.memory_space<vmem>>
        %dma_start3A_117 = arith.constant 0 : i32
        %dma_start3A_118 = tpu.memref_slice %arg8[%scan3A_77, %dma_start3A_117] : memref<250x80xi32, #tpu.memory_space<vmem>> -> memref<1x80xi32, #tpu.memory_space<vmem>>
        %dma_start3A_119 = tpu.memref_squeeze %dma_start3A_118 : memref<1x80xi32, #tpu.memory_space<vmem>> -> memref<80xi32, #tpu.memory_space<vmem>>
        %dma_start3A_120 = arith.constant 0 : i32
        %dma_start3A_121 = arith.constant 0 : i32
        %dma_start3A_122 = tpu.memref_slice %arg12[%dma_start3A_120, %dma_start3A_121] : memref<5248x128xf32, #tpu.memory_space<vmem_shared>> -> memref<5248x128xf32, #tpu.memory_space<vmem_shared>>
        tpu.enqueue_indirect_dma source(%dma_start3A_116 : memref<80x128xf32, #tpu.memory_space<vmem>>) target(%dma_start3A_122 : memref<5248x128xf32, #tpu.memory_space<vmem_shared>>) offsets(%dma_start3A_119 : memref<80xi32, #tpu.memory_space<vmem>>) semaphore(%run_scoped3A : memref<!tpu.dma_semaphore, #tpu.memory_space<semaphore_mem>>) {add = true}
        %dma_wait3A_123 = arith.constant 0 : i32
        %dma_wait3A_124 = arith.constant 0 : i32
        %dma_wait3A_125 = tpu.memref_slice %arg10[%rem3A_78, %dma_wait3A_123, %dma_wait3A_124] : memref<2x80x128xf32, #tpu.memory_space<vmem>> -> memref<1x80x128xf32, #tpu.memory_space<vmem>>
        %dma_wait3A_126 = tpu.memref_squeeze %dma_wait3A_125 : memref<1x80x128xf32, #tpu.memory_space<vmem>> -> memref<80x128xf32, #tpu.memory_space<vmem>>
        %dma_wait3A_127 = arith.constant 0 : i32
        %dma_wait3A_128 = tpu.memref_slice %arg8[%scan3A_77, %dma_wait3A_127] : memref<250x80xi32, #tpu.memory_space<vmem>> -> memref<1x80xi32, #tpu.memory_space<vmem>>
        %dma_wait3A_129 = tpu.memref_squeeze %dma_wait3A_128 : memref<1x80xi32, #tpu.memory_space<vmem>> -> memref<80xi32, #tpu.memory_space<vmem>>
        %dma_wait3A_130 = arith.constant 0 : i32
        %dma_wait3A_131 = arith.constant 0 : i32
        %dma_wait3A_132 = tpu.memref_slice %arg12[%dma_wait3A_130, %dma_wait3A_131] : memref<5248x128xf32, #tpu.memory_space<vmem_shared>> -> memref<5248x128xf32, #tpu.memory_space<vmem_shared>>
        tpu.wait_indirect_dma semaphore(%run_scoped3A : memref<!tpu.dma_semaphore, #tpu.memory_space<semaphore_mem>>) src(%dma_wait3A_126 : memref<80x128xf32, #tpu.memory_space<vmem>>) dst(%dma_wait3A_132 : memref<5248x128xf32, #tpu.memory_space<vmem_shared>>)
        tpu.yield
      }) : () -> ()
    }
    %scan3A_22 = arith.constant 250 : i32
    %dma_wait3A = arith.constant 0 : i32
    %dma_wait3A_23 = arith.constant 0 : i32
    %dma_wait3A_24 = arith.constant 0 : i32
    %dma_wait3A_25 = arith.constant 0 : i32
    %dma_wait3A_26 = tpu.memref_slice %arg10[%dma_wait3A, %dma_wait3A_24, %dma_wait3A_25] : memref<2x80x128xf32, #tpu.memory_space<vmem>> -> memref<1x80x128xf32, #tpu.memory_space<vmem>>
    %dma_wait3A_27 = tpu.memref_squeeze %dma_wait3A_26 : memref<1x80x128xf32, #tpu.memory_space<vmem>> -> memref<80x128xf32, #tpu.memory_space<vmem>>
    %dma_wait3A_28 = arith.constant 0 : i32
    %dma_wait3A_29 = tpu.memref_slice %arg2[%mul3A_2, %dma_wait3A_28] : memref<320000x128xf32, #tpu.memory_space<hbm>> -> memref<80x128xf32, #tpu.memory_space<hbm>>
    %dma_wait3A_30 = tpu.memref_slice %arg11[%dma_wait3A_23] : memref<2x!tpu.dma_semaphore, #tpu.memory_space<semaphore_mem>> -> memref<1x!tpu.dma_semaphore, #tpu.memory_space<semaphore_mem>>
    %dma_wait3A_31 = tpu.memref_squeeze %dma_wait3A_30 : memref<1x!tpu.dma_semaphore, #tpu.memory_space<semaphore_mem>> -> memref<!tpu.dma_semaphore, #tpu.memory_space<semaphore_mem>>
    %dma_wait3A_32 = arith.constant 0 : i32
    %dma_wait3A_33 = arith.constant 0 : i32
    %dma_wait3A_34 = tpu.memref_slice %arg10[%dma_wait3A, %dma_wait3A_32, %dma_wait3A_33] : memref<2x80x128xf32, #tpu.memory_space<vmem>> -> memref<1x80x128xf32, #tpu.memory_space<vmem>>
    %dma_wait3A_35 = tpu.memref_squeeze %dma_wait3A_34 : memref<1x80x128xf32, #tpu.memory_space<vmem>> -> memref<80x128xf32, #tpu.memory_space<vmem>>
    %dma_wait3A_36 = arith.constant 0 : i32
    %dma_wait3A_37 = tpu.memref_slice %arg2[%mul3A_2, %dma_wait3A_36] : memref<320000x128xf32, #tpu.memory_space<hbm>> -> memref<80x128xf32, #tpu.memory_space<hbm>>
    tpu.wait_dma2 semaphore(%dma_wait3A_31 : memref<!tpu.dma_semaphore, #tpu.memory_space<semaphore_mem>>) src(%dma_wait3A_37 : memref<80x128xf32, #tpu.memory_space<hbm>>) dst(%dma_wait3A_35 : memref<80x128xf32, #tpu.memory_space<vmem>>)
    %dma_start3A_38 = arith.constant 0 : i32
    %dma_start3A_39 = arith.constant 0 : i32
    %dma_start3A_40 = arith.constant 0 : i32
    %dma_start3A_41 = arith.constant 0 : i32
    %dma_start3A_42 = tpu.memref_slice %arg10[%dma_start3A_38, %dma_start3A_40, %dma_start3A_41] : memref<2x80x128xf32, #tpu.memory_space<vmem>> -> memref<1x80x128xf32, #tpu.memory_space<vmem>>
    %dma_start3A_43 = tpu.memref_squeeze %dma_start3A_42 : memref<1x80x128xf32, #tpu.memory_space<vmem>> -> memref<80x128xf32, #tpu.memory_space<vmem>>
    %dma_start3A_44 = arith.constant 0 : i32
    %dma_start3A_45 = tpu.memref_slice %arg3[%mul3A_2, %dma_start3A_44] : memref<320000x128xf32, #tpu.memory_space<hbm>> -> memref<80x128xf32, #tpu.memory_space<hbm>>
    %dma_start3A_46 = tpu.memref_slice %arg11[%dma_start3A_39] : memref<2x!tpu.dma_semaphore, #tpu.memory_space<semaphore_mem>> -> memref<1x!tpu.dma_semaphore, #tpu.memory_space<semaphore_mem>>
    %dma_start3A_47 = tpu.memref_squeeze %dma_start3A_46 : memref<1x!tpu.dma_semaphore, #tpu.memory_space<semaphore_mem>> -> memref<!tpu.dma_semaphore, #tpu.memory_space<semaphore_mem>>
    %dma_start3A_48 = arith.constant 0 : i32
    %dma_start3A_49 = arith.constant 0 : i32
    %dma_start3A_50 = tpu.memref_slice %arg10[%dma_start3A_38, %dma_start3A_48, %dma_start3A_49] : memref<2x80x128xf32, #tpu.memory_space<vmem>> -> memref<1x80x128xf32, #tpu.memory_space<vmem>>
    %dma_start3A_51 = tpu.memref_squeeze %dma_start3A_50 : memref<1x80x128xf32, #tpu.memory_space<vmem>> -> memref<80x128xf32, #tpu.memory_space<vmem>>
    %dma_start3A_52 = arith.constant 0 : i32
    %dma_start3A_53 = tpu.memref_slice %arg3[%mul3A_2, %dma_start3A_52] : memref<320000x128xf32, #tpu.memory_space<hbm>> -> memref<80x128xf32, #tpu.memory_space<hbm>>
    tpu.enqueue_dma source(%dma_start3A_53 : memref<80x128xf32, #tpu.memory_space<hbm>>) target(%dma_start3A_51 : memref<80x128xf32, #tpu.memory_space<vmem>>) target_semaphore(%dma_start3A_47 : memref<!tpu.dma_semaphore, #tpu.memory_space<semaphore_mem>>)
    %scan3A_54 = arith.constant 0 : i32
    %scan3A_55 = arith.constant 0 : i32
    %scan3A_56 = arith.constant 250 : i32
    %scan3A_57 = arith.addi %scan3A_55, %scan3A_56 : i32
    %scan3A_58 = arith.constant 1 : i32
    scf.for %scan3A_77 = %scan3A_55 to %scan3A_57 step %scan3A_58  : i32 {
      %rem3A = arith.constant 2 : i32
      %rem3A_78 = arith.remsi %scan3A_77, %rem3A : i32
      %sub3A = arith.constant 1 : i32
      %sub3A_79 = arith.subi %sub3A, %rem3A_78 : i32
      %add3A = arith.constant 1 : i32
      %add3A_80 = arith.addi %scan3A_77, %add3A : i32
      %min3A = arith.constant 249 : i32
      %min3A_81 = arith.minsi %add3A_80, %min3A : i32
      %mul3A_82 = arith.constant 80 : i32
      %mul3A_83 = arith.muli %min3A_81, %mul3A_82 : i32
      %add3A_84 = arith.addi %mul3A_2, %mul3A_83 : i32
      %dma_start3A_85 = arith.constant 0 : i32
      %dma_start3A_86 = arith.constant 0 : i32
      %dma_start3A_87 = tpu.memref_slice %arg10[%sub3A_79, %dma_start3A_85, %dma_start3A_86] : memref<2x80x128xf32, #tpu.memory_space<vmem>> -> memref<1x80x128xf32, #tpu.memory_space<vmem>>
      %dma_start3A_88 = tpu.memref_squeeze %dma_start3A_87 : memref<1x80x128xf32, #tpu.memory_space<vmem>> -> memref<80x128xf32, #tpu.memory_space<vmem>>
      %dma_start3A_89 = arith.constant 0 : i32
      %dma_start3A_90 = tpu.memref_slice %arg3[%add3A_84, %dma_start3A_89] : memref<320000x128xf32, #tpu.memory_space<hbm>> -> memref<80x128xf32, #tpu.memory_space<hbm>>
      %dma_start3A_91 = tpu.memref_slice %arg11[%sub3A_79] : memref<2x!tpu.dma_semaphore, #tpu.memory_space<semaphore_mem>> -> memref<1x!tpu.dma_semaphore, #tpu.memory_space<semaphore_mem>>
      %dma_start3A_92 = tpu.memref_squeeze %dma_start3A_91 : memref<1x!tpu.dma_semaphore, #tpu.memory_space<semaphore_mem>> -> memref<!tpu.dma_semaphore, #tpu.memory_space<semaphore_mem>>
      %dma_start3A_93 = arith.constant 0 : i32
      %dma_start3A_94 = arith.constant 0 : i32
      %dma_start3A_95 = tpu.memref_slice %arg10[%sub3A_79, %dma_start3A_93, %dma_start3A_94] : memref<2x80x128xf32, #tpu.memory_space<vmem>> -> memref<1x80x128xf32, #tpu.memory_space<vmem>>
      %dma_start3A_96 = tpu.memref_squeeze %dma_start3A_95 : memref<1x80x128xf32, #tpu.memory_space<vmem>> -> memref<80x128xf32, #tpu.memory_space<vmem>>
      %dma_start3A_97 = arith.constant 0 : i32
      %dma_start3A_98 = tpu.memref_slice %arg3[%add3A_84, %dma_start3A_97] : memref<320000x128xf32, #tpu.memory_space<hbm>> -> memref<80x128xf32, #tpu.memory_space<hbm>>
      tpu.enqueue_dma source(%dma_start3A_98 : memref<80x128xf32, #tpu.memory_space<hbm>>) target(%dma_start3A_96 : memref<80x128xf32, #tpu.memory_space<vmem>>) target_semaphore(%dma_start3A_92 : memref<!tpu.dma_semaphore, #tpu.memory_space<semaphore_mem>>)
      %dma_wait3A_99 = arith.constant 0 : i32
      %dma_wait3A_100 = arith.constant 0 : i32
      %dma_wait3A_101 = tpu.memref_slice %arg10[%rem3A_78, %dma_wait3A_99, %dma_wait3A_100] : memref<2x80x128xf32, #tpu.memory_space<vmem>> -> memref<1x80x128xf32, #tpu.memory_space<vmem>>
      %dma_wait3A_102 = tpu.memref_squeeze %dma_wait3A_101 : memref<1x80x128xf32, #tpu.memory_space<vmem>> -> memref<80x128xf32, #tpu.memory_space<vmem>>
      %dma_wait3A_103 = arith.constant 0 : i32
      %dma_wait3A_104 = tpu.memref_slice %arg3[%mul3A_2, %dma_wait3A_103] : memref<320000x128xf32, #tpu.memory_space<hbm>> -> memref<80x128xf32, #tpu.memory_space<hbm>>
      %dma_wait3A_105 = tpu.memref_slice %arg11[%rem3A_78] : memref<2x!tpu.dma_semaphore, #tpu.memory_space<semaphore_mem>> -> memref<1x!tpu.dma_semaphore, #tpu.memory_space<semaphore_mem>>
      %dma_wait3A_106 = tpu.memref_squeeze %dma_wait3A_105 : memref<1x!tpu.dma_semaphore, #tpu.memory_space<semaphore_mem>> -> memref<!tpu.dma_semaphore, #tpu.memory_space<semaphore_mem>>
      %dma_wait3A_107 = arith.constant 0 : i32
      %dma_wait3A_108 = arith.constant 0 : i32
      %dma_wait3A_109 = tpu.memref_slice %arg10[%rem3A_78, %dma_wait3A_107, %dma_wait3A_108] : memref<2x80x128xf32, #tpu.memory_space<vmem>> -> memref<1x80x128xf32, #tpu.memory_space<vmem>>
      %dma_wait3A_110 = tpu.memref_squeeze %dma_wait3A_109 : memref<1x80x128xf32, #tpu.memory_space<vmem>> -> memref<80x128xf32, #tpu.memory_space<vmem>>
      %dma_wait3A_111 = arith.constant 0 : i32
      %dma_wait3A_112 = tpu.memref_slice %arg3[%mul3A_2, %dma_wait3A_111] : memref<320000x128xf32, #tpu.memory_space<hbm>> -> memref<80x128xf32, #tpu.memory_space<hbm>>
      tpu.wait_dma2 semaphore(%dma_wait3A_106 : memref<!tpu.dma_semaphore, #tpu.memory_space<semaphore_mem>>) src(%dma_wait3A_112 : memref<80x128xf32, #tpu.memory_space<hbm>>) dst(%dma_wait3A_110 : memref<80x128xf32, #tpu.memory_space<vmem>>)
      "tpu.region"() ({
        %run_scoped3A = tpu.sem_alloc : memref<!tpu.dma_semaphore, #tpu.memory_space<semaphore_mem>>
        %dma_start3A_113 = arith.constant 0 : i32
        %dma_start3A_114 = arith.constant 0 : i32
        %dma_start3A_115 = tpu.memref_slice %arg10[%rem3A_78, %dma_start3A_113, %dma_start3A_114] : memref<2x80x128xf32, #tpu.memory_space<vmem>> -> memref<1x80x128xf32, #tpu.memory_space<vmem>>
        %dma_start3A_116 = tpu.memref_squeeze %dma_start3A_115 : memref<1x80x128xf32, #tpu.memory_space<vmem>> -> memref<80x128xf32, #tpu.memory_space<vmem>>
        %dma_start3A_117 = arith.constant 0 : i32
        %dma_start3A_118 = tpu.memref_slice %arg9[%scan3A_77, %dma_start3A_117] : memref<250x80xi32, #tpu.memory_space<vmem>> -> memref<1x80xi32, #tpu.memory_space<vmem>>
        %dma_start3A_119 = tpu.memref_squeeze %dma_start3A_118 : memref<1x80xi32, #tpu.memory_space<vmem>> -> memref<80xi32, #tpu.memory_space<vmem>>
        %dma_start3A_120 = arith.constant 0 : i32
        %dma_start3A_121 = arith.constant 0 : i32
        %dma_start3A_122 = tpu.memref_slice %arg12[%dma_start3A_120, %dma_start3A_121] : memref<5248x128xf32, #tpu.memory_space<vmem_shared>> -> memref<5248x128xf32, #tpu.memory_space<vmem_shared>>
        tpu.enqueue_indirect_dma source(%dma_start3A_116 : memref<80x128xf32, #tpu.memory_space<vmem>>) target(%dma_start3A_122 : memref<5248x128xf32, #tpu.memory_space<vmem_shared>>) offsets(%dma_start3A_119 : memref<80xi32, #tpu.memory_space<vmem>>) semaphore(%run_scoped3A : memref<!tpu.dma_semaphore, #tpu.memory_space<semaphore_mem>>) {add = true}
        %dma_wait3A_123 = arith.constant 0 : i32
        %dma_wait3A_124 = arith.constant 0 : i32
        %dma_wait3A_125 = tpu.memref_slice %arg10[%rem3A_78, %dma_wait3A_123, %dma_wait3A_124] : memref<2x80x128xf32, #tpu.memory_space<vmem>> -> memref<1x80x128xf32, #tpu.memory_space<vmem>>
        %dma_wait3A_126 = tpu.memref_squeeze %dma_wait3A_125 : memref<1x80x128xf32, #tpu.memory_space<vmem>> -> memref<80x128xf32, #tpu.memory_space<vmem>>
        %dma_wait3A_127 = arith.constant 0 : i32
        %dma_wait3A_128 = tpu.memref_slice %arg9[%scan3A_77, %dma_wait3A_127] : memref<250x80xi32, #tpu.memory_space<vmem>> -> memref<1x80xi32, #tpu.memory_space<vmem>>
        %dma_wait3A_129 = tpu.memref_squeeze %dma_wait3A_128 : memref<1x80xi32, #tpu.memory_space<vmem>> -> memref<80xi32, #tpu.memory_space<vmem>>
        %dma_wait3A_130 = arith.constant 0 : i32
        %dma_wait3A_131 = arith.constant 0 : i32
        %dma_wait3A_132 = tpu.memref_slice %arg12[%dma_wait3A_130, %dma_wait3A_131] : memref<5248x128xf32, #tpu.memory_space<vmem_shared>> -> memref<5248x128xf32, #tpu.memory_space<vmem_shared>>
        tpu.wait_indirect_dma semaphore(%run_scoped3A : memref<!tpu.dma_semaphore, #tpu.memory_space<semaphore_mem>>) src(%dma_wait3A_126 : memref<80x128xf32, #tpu.memory_space<vmem>>) dst(%dma_wait3A_132 : memref<5248x128xf32, #tpu.memory_space<vmem_shared>>)
        tpu.yield
      }) : () -> ()
    }
    %scan3A_59 = arith.constant 250 : i32
    %dma_wait3A_60 = arith.constant 0 : i32
    %dma_wait3A_61 = arith.constant 0 : i32
    %dma_wait3A_62 = arith.constant 0 : i32
    %dma_wait3A_63 = arith.constant 0 : i32
    %dma_wait3A_64 = tpu.memref_slice %arg10[%dma_wait3A_60, %dma_wait3A_62, %dma_wait3A_63] : memref<2x80x128xf32, #tpu.memory_space<vmem>> -> memref<1x80x128xf32, #tpu.memory_space<vmem>>
    %dma_wait3A_65 = tpu.memref_squeeze %dma_wait3A_64 : memref<1x80x128xf32, #tpu.memory_space<vmem>> -> memref<80x128xf32, #tpu.memory_space<vmem>>
    %dma_wait3A_66 = arith.constant 0 : i32
    %dma_wait3A_67 = tpu.memref_slice %arg3[%mul3A_2, %dma_wait3A_66] : memref<320000x128xf32, #tpu.memory_space<hbm>> -> memref<80x128xf32, #tpu.memory_space<hbm>>
    %dma_wait3A_68 = tpu.memref_slice %arg11[%dma_wait3A_61] : memref<2x!tpu.dma_semaphore, #tpu.memory_space<semaphore_mem>> -> memref<1x!tpu.dma_semaphore, #tpu.memory_space<semaphore_mem>>
    %dma_wait3A_69 = tpu.memref_squeeze %dma_wait3A_68 : memref<1x!tpu.dma_semaphore, #tpu.memory_space<semaphore_mem>> -> memref<!tpu.dma_semaphore, #tpu.memory_space<semaphore_mem>>
    %dma_wait3A_70 = arith.constant 0 : i32
    %dma_wait3A_71 = arith.constant 0 : i32
    %dma_wait3A_72 = tpu.memref_slice %arg10[%dma_wait3A_60, %dma_wait3A_70, %dma_wait3A_71] : memref<2x80x128xf32, #tpu.memory_space<vmem>> -> memref<1x80x128xf32, #tpu.memory_space<vmem>>
    %dma_wait3A_73 = tpu.memref_squeeze %dma_wait3A_72 : memref<1x80x128xf32, #tpu.memory_space<vmem>> -> memref<80x128xf32, #tpu.memory_space<vmem>>
    %dma_wait3A_74 = arith.constant 0 : i32
    %dma_wait3A_75 = tpu.memref_slice %arg3[%mul3A_2, %dma_wait3A_74] : memref<320000x128xf32, #tpu.memory_space<hbm>> -> memref<80x128xf32, #tpu.memory_space<hbm>>
    tpu.wait_dma2 semaphore(%dma_wait3A_69 : memref<!tpu.dma_semaphore, #tpu.memory_space<semaphore_mem>>) src(%dma_wait3A_75 : memref<80x128xf32, #tpu.memory_space<hbm>>) dst(%dma_wait3A_73 : memref<80x128xf32, #tpu.memory_space<vmem>>)
    %barrier3A_76 = arith.constant 0 : index
    tpu.barrier barrier_id(%barrier3A_76)
    "tpu.region"() ({
      %run_scoped3A = tpu.sem_alloc : memref<!tpu.dma_semaphore, #tpu.memory_space<semaphore_mem>>
      %dma_start3A_77 = arith.constant 0 : i32
      %dma_start3A_78 = tpu.memref_slice %arg7[%arg0, %mul3A_0, %dma_start3A_77] : memref<2x5248x128xf32, #tpu.memory_space<hbm>> -> memref<1x328x128xf32, #tpu.memory_space<hbm>>
      %dma_start3A_79 = tpu.memref_squeeze %dma_start3A_78 : memref<1x328x128xf32, #tpu.memory_space<hbm>> -> memref<328x128xf32, #tpu.memory_space<hbm>>
      %dma_start3A_80 = arith.constant 0 : i32
      %dma_start3A_81 = tpu.memref_slice %arg12[%mul3A_0, %dma_start3A_80] : memref<5248x128xf32, #tpu.memory_space<vmem_shared>> -> memref<328x128xf32, #tpu.memory_space<vmem_shared>>
      tpu.enqueue_dma source(%dma_start3A_81 : memref<328x128xf32, #tpu.memory_space<vmem_shared>>) target(%dma_start3A_79 : memref<328x128xf32, #tpu.memory_space<hbm>>) target_semaphore(%run_scoped3A : memref<!tpu.dma_semaphore, #tpu.memory_space<semaphore_mem>>)
      %dma_wait3A_82 = arith.constant 0 : i32
      %dma_wait3A_83 = tpu.memref_slice %arg7[%arg0, %mul3A_0, %dma_wait3A_82] : memref<2x5248x128xf32, #tpu.memory_space<hbm>> -> memref<1x328x128xf32, #tpu.memory_space<hbm>>
      %dma_wait3A_84 = tpu.memref_squeeze %dma_wait3A_83 : memref<1x328x128xf32, #tpu.memory_space<hbm>> -> memref<328x128xf32, #tpu.memory_space<hbm>>
      %dma_wait3A_85 = arith.constant 0 : i32
      %dma_wait3A_86 = tpu.memref_slice %arg12[%mul3A_0, %dma_wait3A_85] : memref<5248x128xf32, #tpu.memory_space<vmem_shared>> -> memref<328x128xf32, #tpu.memory_space<vmem_shared>>
      tpu.wait_dma2 semaphore(%run_scoped3A : memref<!tpu.dma_semaphore, #tpu.memory_space<semaphore_mem>>) src(%dma_wait3A_86 : memref<328x128xf32, #tpu.memory_space<vmem_shared>>) dst(%dma_wait3A_84 : memref<328x128xf32, #tpu.memory_space<hbm>>)
      tpu.yield
    }) : () -> ()
    return
  }
}

#map = affine_map<(d0, d1) -> (0, 0)>
#map1 = affine_map<(d0, d1) -> (0, 0, 0)>
module attributes {stable_mosaic.version = 14 : i64} {
  func.func @_sc_gather_body(%arg0: i32, %arg1: i32, %arg2: memref<10000x128xf32, #tpu.memory_space<hbm>>, %arg3: memref<32x125x80xi32, #tpu.memory_space<hbm>>, %arg4: memref<32x125x80xi32, #tpu.memory_space<hbm>>, %arg5: memref<320000x128xf32, #tpu.memory_space<hbm>>, %arg6: memref<320000x128xf32, #tpu.memory_space<hbm>>, %arg7: memref<125x80xi32, #tpu.memory_space<vmem>>, %arg8: memref<125x80xi32, #tpu.memory_space<vmem>>, %arg9: memref<2x80x128xf32, #tpu.memory_space<vmem>>, %arg10: memref<2x80x128xf32, #tpu.memory_space<vmem>>, %arg11: memref<2x!tpu.dma_semaphore, #tpu.memory_space<semaphore_mem>>, %arg12: memref<2x!tpu.dma_semaphore, #tpu.memory_space<semaphore_mem>>) attributes {dimension_semantics = [#tpu.dimension_semantics<core_parallel>, #tpu.dimension_semantics<subcore_parallel>], iteration_bounds = array<i64: 2, 16>, scalar_prefetch = 0 : i64, scratch_operands = 6 : i64, tpu.core_type = #tpu.core_type<sc_vector_subcore>, window_params = [{transform_indices = #map}, {transform_indices = #map1}, {transform_indices = #map1}, {transform_indices = #map}, {transform_indices = #map}]} {
    %mul3A = arith.constant 2 : i32
    %mul3A_0 = arith.muli %arg1, %mul3A : i32
    %add3A = arith.addi %mul3A_0, %arg0 : i32
    "tpu.region"() ({
      %run_scoped3A = tpu.sem_alloc : memref<!tpu.dma_semaphore, #tpu.memory_space<semaphore_mem>>
      %dma_start3A_66 = arith.constant 0 : i32
      %dma_start3A_67 = arith.constant 0 : i32
      %dma_start3A_68 = tpu.memref_slice %arg3[%add3A, %dma_start3A_66, %dma_start3A_67] : memref<32x125x80xi32, #tpu.memory_space<hbm>> -> memref<1x125x80xi32, #tpu.memory_space<hbm>>
      %dma_start3A_69 = tpu.memref_squeeze %dma_start3A_68 : memref<1x125x80xi32, #tpu.memory_space<hbm>> -> memref<125x80xi32, #tpu.memory_space<hbm>>
      %dma_start3A_70 = arith.constant 0 : i32
      %dma_start3A_71 = arith.constant 0 : i32
      %dma_start3A_72 = tpu.memref_slice %arg3[%add3A, %dma_start3A_70, %dma_start3A_71] : memref<32x125x80xi32, #tpu.memory_space<hbm>> -> memref<1x125x80xi32, #tpu.memory_space<hbm>>
      %dma_start3A_73 = tpu.memref_squeeze %dma_start3A_72 : memref<1x125x80xi32, #tpu.memory_space<hbm>> -> memref<125x80xi32, #tpu.memory_space<hbm>>
      tpu.enqueue_dma source(%dma_start3A_73 : memref<125x80xi32, #tpu.memory_space<hbm>>) target(%arg7 : memref<125x80xi32, #tpu.memory_space<vmem>>) target_semaphore(%run_scoped3A : memref<!tpu.dma_semaphore, #tpu.memory_space<semaphore_mem>>)
      %dma_wait3A_74 = arith.constant 0 : i32
      %dma_wait3A_75 = arith.constant 0 : i32
      %dma_wait3A_76 = tpu.memref_slice %arg3[%add3A, %dma_wait3A_74, %dma_wait3A_75] : memref<32x125x80xi32, #tpu.memory_space<hbm>> -> memref<1x125x80xi32, #tpu.memory_space<hbm>>
      %dma_wait3A_77 = tpu.memref_squeeze %dma_wait3A_76 : memref<1x125x80xi32, #tpu.memory_space<hbm>> -> memref<125x80xi32, #tpu.memory_space<hbm>>
      %dma_wait3A_78 = arith.constant 0 : i32
      %dma_wait3A_79 = arith.constant 0 : i32
      %dma_wait3A_80 = tpu.memref_slice %arg3[%add3A, %dma_wait3A_78, %dma_wait3A_79] : memref<32x125x80xi32, #tpu.memory_space<hbm>> -> memref<1x125x80xi32, #tpu.memory_space<hbm>>
      %dma_wait3A_81 = tpu.memref_squeeze %dma_wait3A_80 : memref<1x125x80xi32, #tpu.memory_space<hbm>> -> memref<125x80xi32, #tpu.memory_space<hbm>>
      tpu.wait_dma2 semaphore(%run_scoped3A : memref<!tpu.dma_semaphore, #tpu.memory_space<semaphore_mem>>) src(%dma_wait3A_81 : memref<125x80xi32, #tpu.memory_space<hbm>>) dst(%arg7 : memref<125x80xi32, #tpu.memory_space<vmem>>)
      tpu.yield
    }) : () -> ()
    "tpu.region"() ({
      %run_scoped3A = tpu.sem_alloc : memref<!tpu.dma_semaphore, #tpu.memory_space<semaphore_mem>>
      %dma_start3A_66 = arith.constant 0 : i32
      %dma_start3A_67 = arith.constant 0 : i32
      %dma_start3A_68 = tpu.memref_slice %arg4[%add3A, %dma_start3A_66, %dma_start3A_67] : memref<32x125x80xi32, #tpu.memory_space<hbm>> -> memref<1x125x80xi32, #tpu.memory_space<hbm>>
      %dma_start3A_69 = tpu.memref_squeeze %dma_start3A_68 : memref<1x125x80xi32, #tpu.memory_space<hbm>> -> memref<125x80xi32, #tpu.memory_space<hbm>>
      %dma_start3A_70 = arith.constant 0 : i32
      %dma_start3A_71 = arith.constant 0 : i32
      %dma_start3A_72 = tpu.memref_slice %arg4[%add3A, %dma_start3A_70, %dma_start3A_71] : memref<32x125x80xi32, #tpu.memory_space<hbm>> -> memref<1x125x80xi32, #tpu.memory_space<hbm>>
      %dma_start3A_73 = tpu.memref_squeeze %dma_start3A_72 : memref<1x125x80xi32, #tpu.memory_space<hbm>> -> memref<125x80xi32, #tpu.memory_space<hbm>>
      tpu.enqueue_dma source(%dma_start3A_73 : memref<125x80xi32, #tpu.memory_space<hbm>>) target(%arg8 : memref<125x80xi32, #tpu.memory_space<vmem>>) target_semaphore(%run_scoped3A : memref<!tpu.dma_semaphore, #tpu.memory_space<semaphore_mem>>)
      %dma_wait3A_74 = arith.constant 0 : i32
      %dma_wait3A_75 = arith.constant 0 : i32
      %dma_wait3A_76 = tpu.memref_slice %arg4[%add3A, %dma_wait3A_74, %dma_wait3A_75] : memref<32x125x80xi32, #tpu.memory_space<hbm>> -> memref<1x125x80xi32, #tpu.memory_space<hbm>>
      %dma_wait3A_77 = tpu.memref_squeeze %dma_wait3A_76 : memref<1x125x80xi32, #tpu.memory_space<hbm>> -> memref<125x80xi32, #tpu.memory_space<hbm>>
      %dma_wait3A_78 = arith.constant 0 : i32
      %dma_wait3A_79 = arith.constant 0 : i32
      %dma_wait3A_80 = tpu.memref_slice %arg4[%add3A, %dma_wait3A_78, %dma_wait3A_79] : memref<32x125x80xi32, #tpu.memory_space<hbm>> -> memref<1x125x80xi32, #tpu.memory_space<hbm>>
      %dma_wait3A_81 = tpu.memref_squeeze %dma_wait3A_80 : memref<1x125x80xi32, #tpu.memory_space<hbm>> -> memref<125x80xi32, #tpu.memory_space<hbm>>
      tpu.wait_dma2 semaphore(%run_scoped3A : memref<!tpu.dma_semaphore, #tpu.memory_space<semaphore_mem>>) src(%dma_wait3A_81 : memref<125x80xi32, #tpu.memory_space<hbm>>) dst(%arg8 : memref<125x80xi32, #tpu.memory_space<vmem>>)
      tpu.yield
    }) : () -> ()
    %mul3A_1 = arith.constant 10000 : i32
    %mul3A_2 = arith.muli %add3A, %mul3A_1 : i32
    %dma_start3A = arith.constant 0 : i32
    %dma_start3A_3 = arith.constant 0 : i32
    %dma_start3A_4 = arith.constant 0 : i32
    %dma_start3A_5 = arith.constant 0 : i32
    %dma_start3A_6 = arith.constant 0 : i32
    %dma_start3A_7 = tpu.memref_slice %arg9[%dma_start3A_3, %dma_start3A_5, %dma_start3A_6] : memref<2x80x128xf32, #tpu.memory_space<vmem>> -> memref<1x80x128xf32, #tpu.memory_space<vmem>>
    %dma_start3A_8 = tpu.memref_squeeze %dma_start3A_7 : memref<1x80x128xf32, #tpu.memory_space<vmem>> -> memref<80x128xf32, #tpu.memory_space<vmem>>
    %dma_start3A_9 = arith.constant 0 : i32
    %dma_start3A_10 = tpu.memref_slice %arg7[%dma_start3A, %dma_start3A_9] : memref<125x80xi32, #tpu.memory_space<vmem>> -> memref<1x80xi32, #tpu.memory_space<vmem>>
    %dma_start3A_11 = tpu.memref_squeeze %dma_start3A_10 : memref<1x80xi32, #tpu.memory_space<vmem>> -> memref<80xi32, #tpu.memory_space<vmem>>
    %dma_start3A_12 = arith.constant 0 : i32
    %dma_start3A_13 = arith.constant 0 : i32
    %dma_start3A_14 = tpu.memref_slice %arg2[%dma_start3A_12, %dma_start3A_13] : memref<10000x128xf32, #tpu.memory_space<hbm>> -> memref<10000x128xf32, #tpu.memory_space<hbm>>
    %dma_start3A_15 = tpu.memref_slice %arg11[%dma_start3A_4] : memref<2x!tpu.dma_semaphore, #tpu.memory_space<semaphore_mem>> -> memref<1x!tpu.dma_semaphore, #tpu.memory_space<semaphore_mem>>
    %dma_start3A_16 = tpu.memref_squeeze %dma_start3A_15 : memref<1x!tpu.dma_semaphore, #tpu.memory_space<semaphore_mem>> -> memref<!tpu.dma_semaphore, #tpu.memory_space<semaphore_mem>>
    tpu.enqueue_indirect_dma source(%dma_start3A_14 : memref<10000x128xf32, #tpu.memory_space<hbm>>) target(%dma_start3A_8 : memref<80x128xf32, #tpu.memory_space<vmem>>) offsets(%dma_start3A_11 : memref<80xi32, #tpu.memory_space<vmem>>) semaphore(%dma_start3A_16 : memref<!tpu.dma_semaphore, #tpu.memory_space<semaphore_mem>>)
    %dma_start3A_17 = arith.constant 0 : i32
    %dma_start3A_18 = arith.constant 0 : i32
    %dma_start3A_19 = arith.constant 0 : i32
    %dma_start3A_20 = arith.constant 0 : i32
    %dma_start3A_21 = arith.constant 0 : i32
    %dma_start3A_22 = tpu.memref_slice %arg10[%dma_start3A_18, %dma_start3A_20, %dma_start3A_21] : memref<2x80x128xf32, #tpu.memory_space<vmem>> -> memref<1x80x128xf32, #tpu.memory_space<vmem>>
    %dma_start3A_23 = tpu.memref_squeeze %dma_start3A_22 : memref<1x80x128xf32, #tpu.memory_space<vmem>> -> memref<80x128xf32, #tpu.memory_space<vmem>>
    %dma_start3A_24 = arith.constant 0 : i32
    %dma_start3A_25 = tpu.memref_slice %arg8[%dma_start3A_17, %dma_start3A_24] : memref<125x80xi32, #tpu.memory_space<vmem>> -> memref<1x80xi32, #tpu.memory_space<vmem>>
    %dma_start3A_26 = tpu.memref_squeeze %dma_start3A_25 : memref<1x80xi32, #tpu.memory_space<vmem>> -> memref<80xi32, #tpu.memory_space<vmem>>
    %dma_start3A_27 = arith.constant 0 : i32
    %dma_start3A_28 = arith.constant 0 : i32
    %dma_start3A_29 = tpu.memref_slice %arg2[%dma_start3A_27, %dma_start3A_28] : memref<10000x128xf32, #tpu.memory_space<hbm>> -> memref<10000x128xf32, #tpu.memory_space<hbm>>
    %dma_start3A_30 = tpu.memref_slice %arg12[%dma_start3A_19] : memref<2x!tpu.dma_semaphore, #tpu.memory_space<semaphore_mem>> -> memref<1x!tpu.dma_semaphore, #tpu.memory_space<semaphore_mem>>
    %dma_start3A_31 = tpu.memref_squeeze %dma_start3A_30 : memref<1x!tpu.dma_semaphore, #tpu.memory_space<semaphore_mem>> -> memref<!tpu.dma_semaphore, #tpu.memory_space<semaphore_mem>>
    tpu.enqueue_indirect_dma source(%dma_start3A_29 : memref<10000x128xf32, #tpu.memory_space<hbm>>) target(%dma_start3A_23 : memref<80x128xf32, #tpu.memory_space<vmem>>) offsets(%dma_start3A_26 : memref<80xi32, #tpu.memory_space<vmem>>) semaphore(%dma_start3A_31 : memref<!tpu.dma_semaphore, #tpu.memory_space<semaphore_mem>>)
    %scan3A = arith.constant 0 : i32
    %scan3A_32 = arith.constant 0 : i32
    %scan3A_33 = arith.constant 125 : i32
    %scan3A_34 = arith.addi %scan3A_32, %scan3A_33 : i32
    %scan3A_35 = arith.constant 1 : i32
    scf.for %scan3A_66 = %scan3A_32 to %scan3A_34 step %scan3A_35  : i32 {
      %rem3A = arith.constant 2 : i32
      %rem3A_67 = arith.remsi %scan3A_66, %rem3A : i32
      %sub3A = arith.constant 1 : i32
      %sub3A_68 = arith.subi %sub3A, %rem3A_67 : i32
      %add3A_69 = arith.constant 1 : i32
      %add3A_70 = arith.addi %scan3A_66, %add3A_69 : i32
      %min3A = arith.constant 124 : i32
      %min3A_71 = arith.minsi %add3A_70, %min3A : i32
      %dma_start3A_72 = arith.constant 0 : i32
      %dma_start3A_73 = arith.constant 0 : i32
      %dma_start3A_74 = tpu.memref_slice %arg9[%sub3A_68, %dma_start3A_72, %dma_start3A_73] : memref<2x80x128xf32, #tpu.memory_space<vmem>> -> memref<1x80x128xf32, #tpu.memory_space<vmem>>
      %dma_start3A_75 = tpu.memref_squeeze %dma_start3A_74 : memref<1x80x128xf32, #tpu.memory_space<vmem>> -> memref<80x128xf32, #tpu.memory_space<vmem>>
      %dma_start3A_76 = arith.constant 0 : i32
      %dma_start3A_77 = tpu.memref_slice %arg7[%min3A_71, %dma_start3A_76] : memref<125x80xi32, #tpu.memory_space<vmem>> -> memref<1x80xi32, #tpu.memory_space<vmem>>
      %dma_start3A_78 = tpu.memref_squeeze %dma_start3A_77 : memref<1x80xi32, #tpu.memory_space<vmem>> -> memref<80xi32, #tpu.memory_space<vmem>>
      %dma_start3A_79 = arith.constant 0 : i32
      %dma_start3A_80 = arith.constant 0 : i32
      %dma_start3A_81 = tpu.memref_slice %arg2[%dma_start3A_79, %dma_start3A_80] : memref<10000x128xf32, #tpu.memory_space<hbm>> -> memref<10000x128xf32, #tpu.memory_space<hbm>>
      %dma_start3A_82 = tpu.memref_slice %arg11[%sub3A_68] : memref<2x!tpu.dma_semaphore, #tpu.memory_space<semaphore_mem>> -> memref<1x!tpu.dma_semaphore, #tpu.memory_space<semaphore_mem>>
      %dma_start3A_83 = tpu.memref_squeeze %dma_start3A_82 : memref<1x!tpu.dma_semaphore, #tpu.memory_space<semaphore_mem>> -> memref<!tpu.dma_semaphore, #tpu.memory_space<semaphore_mem>>
      tpu.enqueue_indirect_dma source(%dma_start3A_81 : memref<10000x128xf32, #tpu.memory_space<hbm>>) target(%dma_start3A_75 : memref<80x128xf32, #tpu.memory_space<vmem>>) offsets(%dma_start3A_78 : memref<80xi32, #tpu.memory_space<vmem>>) semaphore(%dma_start3A_83 : memref<!tpu.dma_semaphore, #tpu.memory_space<semaphore_mem>>)
      %dma_start3A_84 = arith.constant 0 : i32
      %dma_start3A_85 = arith.constant 0 : i32
      %dma_start3A_86 = tpu.memref_slice %arg10[%sub3A_68, %dma_start3A_84, %dma_start3A_85] : memref<2x80x128xf32, #tpu.memory_space<vmem>> -> memref<1x80x128xf32, #tpu.memory_space<vmem>>
      %dma_start3A_87 = tpu.memref_squeeze %dma_start3A_86 : memref<1x80x128xf32, #tpu.memory_space<vmem>> -> memref<80x128xf32, #tpu.memory_space<vmem>>
      %dma_start3A_88 = arith.constant 0 : i32
      %dma_start3A_89 = tpu.memref_slice %arg8[%min3A_71, %dma_start3A_88] : memref<125x80xi32, #tpu.memory_space<vmem>> -> memref<1x80xi32, #tpu.memory_space<vmem>>
      %dma_start3A_90 = tpu.memref_squeeze %dma_start3A_89 : memref<1x80xi32, #tpu.memory_space<vmem>> -> memref<80xi32, #tpu.memory_space<vmem>>
      %dma_start3A_91 = arith.constant 0 : i32
      %dma_start3A_92 = arith.constant 0 : i32
      %dma_start3A_93 = tpu.memref_slice %arg2[%dma_start3A_91, %dma_start3A_92] : memref<10000x128xf32, #tpu.memory_space<hbm>> -> memref<10000x128xf32, #tpu.memory_space<hbm>>
      %dma_start3A_94 = tpu.memref_slice %arg12[%sub3A_68] : memref<2x!tpu.dma_semaphore, #tpu.memory_space<semaphore_mem>> -> memref<1x!tpu.dma_semaphore, #tpu.memory_space<semaphore_mem>>
      %dma_start3A_95 = tpu.memref_squeeze %dma_start3A_94 : memref<1x!tpu.dma_semaphore, #tpu.memory_space<semaphore_mem>> -> memref<!tpu.dma_semaphore, #tpu.memory_space<semaphore_mem>>
      tpu.enqueue_indirect_dma source(%dma_start3A_93 : memref<10000x128xf32, #tpu.memory_space<hbm>>) target(%dma_start3A_87 : memref<80x128xf32, #tpu.memory_space<vmem>>) offsets(%dma_start3A_90 : memref<80xi32, #tpu.memory_space<vmem>>) semaphore(%dma_start3A_95 : memref<!tpu.dma_semaphore, #tpu.memory_space<semaphore_mem>>)
      %mul3A_96 = arith.constant 80 : i32
      %mul3A_97 = arith.muli %scan3A_66, %mul3A_96 : i32
      %add3A_98 = arith.addi %mul3A_2, %mul3A_97 : i32
      %dma_wait3A_99 = arith.constant 0 : i32
      %dma_wait3A_100 = arith.constant 0 : i32
      %dma_wait3A_101 = tpu.memref_slice %arg9[%rem3A_67, %dma_wait3A_99, %dma_wait3A_100] : memref<2x80x128xf32, #tpu.memory_space<vmem>> -> memref<1x80x128xf32, #tpu.memory_space<vmem>>
      %dma_wait3A_102 = tpu.memref_squeeze %dma_wait3A_101 : memref<1x80x128xf32, #tpu.memory_space<vmem>> -> memref<80x128xf32, #tpu.memory_space<vmem>>
      %dma_wait3A_103 = arith.constant 0 : i32
      %dma_wait3A_104 = tpu.memref_slice %arg7[%scan3A_66, %dma_wait3A_103] : memref<125x80xi32, #tpu.memory_space<vmem>> -> memref<1x80xi32, #tpu.memory_space<vmem>>
      %dma_wait3A_105 = tpu.memref_squeeze %dma_wait3A_104 : memref<1x80xi32, #tpu.memory_space<vmem>> -> memref<80xi32, #tpu.memory_space<vmem>>
      %dma_wait3A_106 = arith.constant 0 : i32
      %dma_wait3A_107 = arith.constant 0 : i32
      %dma_wait3A_108 = tpu.memref_slice %arg2[%dma_wait3A_106, %dma_wait3A_107] : memref<10000x128xf32, #tpu.memory_space<hbm>> -> memref<10000x128xf32, #tpu.memory_space<hbm>>
      %dma_wait3A_109 = tpu.memref_slice %arg11[%rem3A_67] : memref<2x!tpu.dma_semaphore, #tpu.memory_space<semaphore_mem>> -> memref<1x!tpu.dma_semaphore, #tpu.memory_space<semaphore_mem>>
      %dma_wait3A_110 = tpu.memref_squeeze %dma_wait3A_109 : memref<1x!tpu.dma_semaphore, #tpu.memory_space<semaphore_mem>> -> memref<!tpu.dma_semaphore, #tpu.memory_space<semaphore_mem>>
      tpu.wait_indirect_dma semaphore(%dma_wait3A_110 : memref<!tpu.dma_semaphore, #tpu.memory_space<semaphore_mem>>) src(%dma_wait3A_108 : memref<10000x128xf32, #tpu.memory_space<hbm>>) dst(%dma_wait3A_102 : memref<80x128xf32, #tpu.memory_space<vmem>>)
      "tpu.region"() ({
        %run_scoped3A = tpu.sem_alloc : memref<!tpu.dma_semaphore, #tpu.memory_space<semaphore_mem>>
        %dma_start3A_123 = arith.constant 0 : i32
        %dma_start3A_124 = arith.constant 0 : i32
        %dma_start3A_125 = tpu.memref_slice %arg9[%rem3A_67, %dma_start3A_123, %dma_start3A_124] : memref<2x80x128xf32, #tpu.memory_space<vmem>> -> memref<1x80x128xf32, #tpu.memory_space<vmem>>
        %dma_start3A_126 = tpu.memref_squeeze %dma_start3A_125 : memref<1x80x128xf32, #tpu.memory_space<vmem>> -> memref<80x128xf32, #tpu.memory_space<vmem>>
        %dma_start3A_127 = arith.constant 0 : i32
        %dma_start3A_128 = tpu.memref_slice %arg5[%add3A_98, %dma_start3A_127] : memref<320000x128xf32, #tpu.memory_space<hbm>> -> memref<80x128xf32, #tpu.memory_space<hbm>>
        %dma_start3A_129 = arith.constant 0 : i32
        %dma_start3A_130 = tpu.memref_slice %arg5[%add3A_98, %dma_start3A_129] : memref<320000x128xf32, #tpu.memory_space<hbm>> -> memref<80x128xf32, #tpu.memory_space<hbm>>
        %dma_start3A_131 = arith.constant 0 : i32
        %dma_start3A_132 = arith.constant 0 : i32
        %dma_start3A_133 = tpu.memref_slice %arg9[%rem3A_67, %dma_start3A_131, %dma_start3A_132] : memref<2x80x128xf32, #tpu.memory_space<vmem>> -> memref<1x80x128xf32, #tpu.memory_space<vmem>>
        %dma_start3A_134 = tpu.memref_squeeze %dma_start3A_133 : memref<1x80x128xf32, #tpu.memory_space<vmem>> -> memref<80x128xf32, #tpu.memory_space<vmem>>
        tpu.enqueue_dma source(%dma_start3A_134 : memref<80x128xf32, #tpu.memory_space<vmem>>) target(%dma_start3A_130 : memref<80x128xf32, #tpu.memory_space<hbm>>) target_semaphore(%run_scoped3A : memref<!tpu.dma_semaphore, #tpu.memory_space<semaphore_mem>>)
        %dma_wait3A_135 = arith.constant 0 : i32
        %dma_wait3A_136 = arith.constant 0 : i32
        %dma_wait3A_137 = tpu.memref_slice %arg9[%rem3A_67, %dma_wait3A_135, %dma_wait3A_136] : memref<2x80x128xf32, #tpu.memory_space<vmem>> -> memref<1x80x128xf32, #tpu.memory_space<vmem>>
        %dma_wait3A_138 = tpu.memref_squeeze %dma_wait3A_137 : memref<1x80x128xf32, #tpu.memory_space<vmem>> -> memref<80x128xf32, #tpu.memory_space<vmem>>
        %dma_wait3A_139 = arith.constant 0 : i32
        %dma_wait3A_140 = tpu.memref_slice %arg5[%add3A_98, %dma_wait3A_139] : memref<320000x128xf32, #tpu.memory_space<hbm>> -> memref<80x128xf32, #tpu.memory_space<hbm>>
        %dma_wait3A_141 = arith.constant 0 : i32
        %dma_wait3A_142 = tpu.memref_slice %arg5[%add3A_98, %dma_wait3A_141] : memref<320000x128xf32, #tpu.memory_space<hbm>> -> memref<80x128xf32, #tpu.memory_space<hbm>>
        %dma_wait3A_143 = arith.constant 0 : i32
        %dma_wait3A_144 = arith.constant 0 : i32
        %dma_wait3A_145 = tpu.memref_slice %arg9[%rem3A_67, %dma_wait3A_143, %dma_wait3A_144] : memref<2x80x128xf32, #tpu.memory_space<vmem>> -> memref<1x80x128xf32, #tpu.memory_space<vmem>>
        %dma_wait3A_146 = tpu.memref_squeeze %dma_wait3A_145 : memref<1x80x128xf32, #tpu.memory_space<vmem>> -> memref<80x128xf32, #tpu.memory_space<vmem>>
        tpu.wait_dma2 semaphore(%run_scoped3A : memref<!tpu.dma_semaphore, #tpu.memory_space<semaphore_mem>>) src(%dma_wait3A_146 : memref<80x128xf32, #tpu.memory_space<vmem>>) dst(%dma_wait3A_142 : memref<80x128xf32, #tpu.memory_space<hbm>>)
        tpu.yield
      }) : () -> ()
      %dma_wait3A_111 = arith.constant 0 : i32
      %dma_wait3A_112 = arith.constant 0 : i32
      %dma_wait3A_113 = tpu.memref_slice %arg10[%rem3A_67, %dma_wait3A_111, %dma_wait3A_112] : memref<2x80x128xf32, #tpu.memory_space<vmem>> -> memref<1x80x128xf32, #tpu.memory_space<vmem>>
      %dma_wait3A_114 = tpu.memref_squeeze %dma_wait3A_113 : memref<1x80x128xf32, #tpu.memory_space<vmem>> -> memref<80x128xf32, #tpu.memory_space<vmem>>
      %dma_wait3A_115 = arith.constant 0 : i32
      %dma_wait3A_116 = tpu.memref_slice %arg8[%scan3A_66, %dma_wait3A_115] : memref<125x80xi32, #tpu.memory_space<vmem>> -> memref<1x80xi32, #tpu.memory_space<vmem>>
      %dma_wait3A_117 = tpu.memref_squeeze %dma_wait3A_116 : memref<1x80xi32, #tpu.memory_space<vmem>> -> memref<80xi32, #tpu.memory_space<vmem>>
      %dma_wait3A_118 = arith.constant 0 : i32
      %dma_wait3A_119 = arith.constant 0 : i32
      %dma_wait3A_120 = tpu.memref_slice %arg2[%dma_wait3A_118, %dma_wait3A_119] : memref<10000x128xf32, #tpu.memory_space<hbm>> -> memref<10000x128xf32, #tpu.memory_space<hbm>>
      %dma_wait3A_121 = tpu.memref_slice %arg12[%rem3A_67] : memref<2x!tpu.dma_semaphore, #tpu.memory_space<semaphore_mem>> -> memref<1x!tpu.dma_semaphore, #tpu.memory_space<semaphore_mem>>
      %dma_wait3A_122 = tpu.memref_squeeze %dma_wait3A_121 : memref<1x!tpu.dma_semaphore, #tpu.memory_space<semaphore_mem>> -> memref<!tpu.dma_semaphore, #tpu.memory_space<semaphore_mem>>
      tpu.wait_indirect_dma semaphore(%dma_wait3A_122 : memref<!tpu.dma_semaphore, #tpu.memory_space<semaphore_mem>>) src(%dma_wait3A_120 : memref<10000x128xf32, #tpu.memory_space<hbm>>) dst(%dma_wait3A_114 : memref<80x128xf32, #tpu.memory_space<vmem>>)
      "tpu.region"() ({
        %run_scoped3A = tpu.sem_alloc : memref<!tpu.dma_semaphore, #tpu.memory_space<semaphore_mem>>
        %dma_start3A_123 = arith.constant 0 : i32
        %dma_start3A_124 = arith.constant 0 : i32
        %dma_start3A_125 = tpu.memref_slice %arg10[%rem3A_67, %dma_start3A_123, %dma_start3A_124] : memref<2x80x128xf32, #tpu.memory_space<vmem>> -> memref<1x80x128xf32, #tpu.memory_space<vmem>>
        %dma_start3A_126 = tpu.memref_squeeze %dma_start3A_125 : memref<1x80x128xf32, #tpu.memory_space<vmem>> -> memref<80x128xf32, #tpu.memory_space<vmem>>
        %dma_start3A_127 = arith.constant 0 : i32
        %dma_start3A_128 = tpu.memref_slice %arg6[%add3A_98, %dma_start3A_127] : memref<320000x128xf32, #tpu.memory_space<hbm>> -> memref<80x128xf32, #tpu.memory_space<hbm>>
        %dma_start3A_129 = arith.constant 0 : i32
        %dma_start3A_130 = tpu.memref_slice %arg6[%add3A_98, %dma_start3A_129] : memref<320000x128xf32, #tpu.memory_space<hbm>> -> memref<80x128xf32, #tpu.memory_space<hbm>>
        %dma_start3A_131 = arith.constant 0 : i32
        %dma_start3A_132 = arith.constant 0 : i32
        %dma_start3A_133 = tpu.memref_slice %arg10[%rem3A_67, %dma_start3A_131, %dma_start3A_132] : memref<2x80x128xf32, #tpu.memory_space<vmem>> -> memref<1x80x128xf32, #tpu.memory_space<vmem>>
        %dma_start3A_134 = tpu.memref_squeeze %dma_start3A_133 : memref<1x80x128xf32, #tpu.memory_space<vmem>> -> memref<80x128xf32, #tpu.memory_space<vmem>>
        tpu.enqueue_dma source(%dma_start3A_134 : memref<80x128xf32, #tpu.memory_space<vmem>>) target(%dma_start3A_130 : memref<80x128xf32, #tpu.memory_space<hbm>>) target_semaphore(%run_scoped3A : memref<!tpu.dma_semaphore, #tpu.memory_space<semaphore_mem>>)
        %dma_wait3A_135 = arith.constant 0 : i32
        %dma_wait3A_136 = arith.constant 0 : i32
        %dma_wait3A_137 = tpu.memref_slice %arg10[%rem3A_67, %dma_wait3A_135, %dma_wait3A_136] : memref<2x80x128xf32, #tpu.memory_space<vmem>> -> memref<1x80x128xf32, #tpu.memory_space<vmem>>
        %dma_wait3A_138 = tpu.memref_squeeze %dma_wait3A_137 : memref<1x80x128xf32, #tpu.memory_space<vmem>> -> memref<80x128xf32, #tpu.memory_space<vmem>>
        %dma_wait3A_139 = arith.constant 0 : i32
        %dma_wait3A_140 = tpu.memref_slice %arg6[%add3A_98, %dma_wait3A_139] : memref<320000x128xf32, #tpu.memory_space<hbm>> -> memref<80x128xf32, #tpu.memory_space<hbm>>
        %dma_wait3A_141 = arith.constant 0 : i32
        %dma_wait3A_142 = tpu.memref_slice %arg6[%add3A_98, %dma_wait3A_141] : memref<320000x128xf32, #tpu.memory_space<hbm>> -> memref<80x128xf32, #tpu.memory_space<hbm>>
        %dma_wait3A_143 = arith.constant 0 : i32
        %dma_wait3A_144 = arith.constant 0 : i32
        %dma_wait3A_145 = tpu.memref_slice %arg10[%rem3A_67, %dma_wait3A_143, %dma_wait3A_144] : memref<2x80x128xf32, #tpu.memory_space<vmem>> -> memref<1x80x128xf32, #tpu.memory_space<vmem>>
        %dma_wait3A_146 = tpu.memref_squeeze %dma_wait3A_145 : memref<1x80x128xf32, #tpu.memory_space<vmem>> -> memref<80x128xf32, #tpu.memory_space<vmem>>
        tpu.wait_dma2 semaphore(%run_scoped3A : memref<!tpu.dma_semaphore, #tpu.memory_space<semaphore_mem>>) src(%dma_wait3A_146 : memref<80x128xf32, #tpu.memory_space<vmem>>) dst(%dma_wait3A_142 : memref<80x128xf32, #tpu.memory_space<hbm>>)
        tpu.yield
      }) : () -> ()
    }
    %scan3A_36 = arith.constant 125 : i32
    %dma_wait3A = arith.constant 124 : i32
    %dma_wait3A_37 = arith.constant 1 : i32
    %dma_wait3A_38 = arith.constant 1 : i32
    %dma_wait3A_39 = arith.constant 0 : i32
    %dma_wait3A_40 = arith.constant 0 : i32
    %dma_wait3A_41 = tpu.memref_slice %arg9[%dma_wait3A_37, %dma_wait3A_39, %dma_wait3A_40] : memref<2x80x128xf32, #tpu.memory_space<vmem>> -> memref<1x80x128xf32, #tpu.memory_space<vmem>>
    %dma_wait3A_42 = tpu.memref_squeeze %dma_wait3A_41 : memref<1x80x128xf32, #tpu.memory_space<vmem>> -> memref<80x128xf32, #tpu.memory_space<vmem>>
    %dma_wait3A_43 = arith.constant 0 : i32
    %dma_wait3A_44 = tpu.memref_slice %arg7[%dma_wait3A, %dma_wait3A_43] : memref<125x80xi32, #tpu.memory_space<vmem>> -> memref<1x80xi32, #tpu.memory_space<vmem>>
    %dma_wait3A_45 = tpu.memref_squeeze %dma_wait3A_44 : memref<1x80xi32, #tpu.memory_space<vmem>> -> memref<80xi32, #tpu.memory_space<vmem>>
    %dma_wait3A_46 = arith.constant 0 : i32
    %dma_wait3A_47 = arith.constant 0 : i32
    %dma_wait3A_48 = tpu.memref_slice %arg2[%dma_wait3A_46, %dma_wait3A_47] : memref<10000x128xf32, #tpu.memory_space<hbm>> -> memref<10000x128xf32, #tpu.memory_space<hbm>>
    %dma_wait3A_49 = tpu.memref_slice %arg11[%dma_wait3A_38] : memref<2x!tpu.dma_semaphore, #tpu.memory_space<semaphore_mem>> -> memref<1x!tpu.dma_semaphore, #tpu.memory_space<semaphore_mem>>
    %dma_wait3A_50 = tpu.memref_squeeze %dma_wait3A_49 : memref<1x!tpu.dma_semaphore, #tpu.memory_space<semaphore_mem>> -> memref<!tpu.dma_semaphore, #tpu.memory_space<semaphore_mem>>
    tpu.wait_indirect_dma semaphore(%dma_wait3A_50 : memref<!tpu.dma_semaphore, #tpu.memory_space<semaphore_mem>>) src(%dma_wait3A_48 : memref<10000x128xf32, #tpu.memory_space<hbm>>) dst(%dma_wait3A_42 : memref<80x128xf32, #tpu.memory_space<vmem>>)
    %dma_wait3A_51 = arith.constant 124 : i32
    %dma_wait3A_52 = arith.constant 1 : i32
    %dma_wait3A_53 = arith.constant 1 : i32
    %dma_wait3A_54 = arith.constant 0 : i32
    %dma_wait3A_55 = arith.constant 0 : i32
    %dma_wait3A_56 = tpu.memref_slice %arg10[%dma_wait3A_52, %dma_wait3A_54, %dma_wait3A_55] : memref<2x80x128xf32, #tpu.memory_space<vmem>> -> memref<1x80x128xf32, #tpu.memory_space<vmem>>
    %dma_wait3A_57 = tpu.memref_squeeze %dma_wait3A_56 : memref<1x80x128xf32, #tpu.memory_space<vmem>> -> memref<80x128xf32, #tpu.memory_space<vmem>>
    %dma_wait3A_58 = arith.constant 0 : i32
    %dma_wait3A_59 = tpu.memref_slice %arg8[%dma_wait3A_51, %dma_wait3A_58] : memref<125x80xi32, #tpu.memory_space<vmem>> -> memref<1x80xi32, #tpu.memory_space<vmem>>
    %dma_wait3A_60 = tpu.memref_squeeze %dma_wait3A_59 : memref<1x80xi32, #tpu.memory_space<vmem>> -> memref<80xi32, #tpu.memory_space<vmem>>
    %dma_wait3A_61 = arith.constant 0 : i32
    %dma_wait3A_62 = arith.constant 0 : i32
    %dma_wait3A_63 = tpu.memref_slice %arg2[%dma_wait3A_61, %dma_wait3A_62] : memref<10000x128xf32, #tpu.memory_space<hbm>> -> memref<10000x128xf32, #tpu.memory_space<hbm>>
    %dma_wait3A_64 = tpu.memref_slice %arg12[%dma_wait3A_53] : memref<2x!tpu.dma_semaphore, #tpu.memory_space<semaphore_mem>> -> memref<1x!tpu.dma_semaphore, #tpu.memory_space<semaphore_mem>>
    %dma_wait3A_65 = tpu.memref_squeeze %dma_wait3A_64 : memref<1x!tpu.dma_semaphore, #tpu.memory_space<semaphore_mem>> -> memref<!tpu.dma_semaphore, #tpu.memory_space<semaphore_mem>>
    tpu.wait_indirect_dma semaphore(%dma_wait3A_65 : memref<!tpu.dma_semaphore, #tpu.memory_space<semaphore_mem>>) src(%dma_wait3A_63 : memref<10000x128xf32, #tpu.memory_space<hbm>>) dst(%dma_wait3A_57 : memref<80x128xf32, #tpu.memory_space<vmem>>)
    return
  }
}

module attributes {stable_mosaic.version = 14 : i64} {
  func.func @_tc_idx_body(%arg0: memref<2x2500x128xi32, #tpu.memory_space<vmem>>, %arg1: memref<2x2x2500x128xi32, #tpu.memory_space<vmem>>) attributes {dimension_semantics = [], scalar_prefetch = 0 : i64, scratch_operands = 0 : i64, tpu.core_type = #tpu.core_type<tc>} {
    %get3A = arith.constant 0 : index
    %get3A_0 = arith.constant 0 : index
    %get3A_1 = arith.constant 0 : index
    %get3A_2 = vector.load %arg0[%get3A, %get3A_0, %get3A_1] : memref<2x2500x128xi32, #tpu.memory_space<vmem>>, vector<2x2500x128xi32>
    %lt3A = arith.constant 5120 : i32
    %lt3A_3 = vector.broadcast %lt3A : i32 to vector<2x2500x128xi32>
    %lt3A_4 = arith.cmpi slt, %get3A_2, %lt3A_3 : vector<2x2500x128xi32>
    %jit3A = arith.constant 5120 : i32
    %broadcast_in_dim3A = vector.broadcast %jit3A : i32 to vector<2x2500x128xi32>
    %select_n3A = arith.select %lt3A_4, %get3A_2, %broadcast_in_dim3A : vector<2x2500x128xi1>, vector<2x2500x128xi32>
    %swap3A = arith.constant 0 : index
    %swap3A_5 = arith.constant 0 : index
    %swap3A_6 = arith.constant 0 : index
    %swap3A_7 = arith.constant 0 : index
    %swap3A_8 = vector.load %arg1[%swap3A, %swap3A_5, %swap3A_6, %swap3A_7] : memref<2x2x2500x128xi32, #tpu.memory_space<vmem>>, vector<1x2x2500x128xi32>
    %swap3A_9 = vector.shape_cast %swap3A_8 : vector<1x2x2500x128xi32> to vector<2x2500x128xi32>
    %swap3A_10 = vector.shape_cast %select_n3A : vector<2x2500x128xi32> to vector<1x2x2500x128xi32>
    tpu.vector_store %arg1[%swap3A, %swap3A_5, %swap3A_6, %swap3A_7], %swap3A_10 {strides = array<i32>} : memref<2x2x2500x128xi32, #tpu.memory_space<vmem>>, vector<1x2x2500x128xi32>,
    %ge3A = arith.constant 5120 : i32
    %ge3A_11 = vector.broadcast %ge3A : i32 to vector<2x2500x128xi32>
    %ge3A_12 = arith.cmpi sge, %get3A_2, %ge3A_11 : vector<2x2500x128xi32>
    %sub3A = arith.constant 5120 : i32
    %sub3A_13 = vector.broadcast %sub3A : i32 to vector<2x2500x128xi32>
    %sub3A_14 = arith.subi %get3A_2, %sub3A_13 : vector<2x2500x128xi32>
    %jit3A_15 = arith.constant 5120 : i32
    %broadcast_in_dim3A_16 = vector.broadcast %jit3A_15 : i32 to vector<2x2500x128xi32>
    %select_n3A_17 = arith.select %ge3A_12, %sub3A_14, %broadcast_in_dim3A_16 : vector<2x2500x128xi1>, vector<2x2500x128xi32>
    %swap3A_18 = arith.constant 1 : index
    %swap3A_19 = arith.constant 0 : index
    %swap3A_20 = arith.constant 0 : index
    %swap3A_21 = arith.constant 0 : index
    %swap3A_22 = vector.load %arg1[%swap3A_18, %swap3A_19, %swap3A_20, %swap3A_21] : memref<2x2x2500x128xi32, #tpu.memory_space<vmem>>, vector<1x2x2500x128xi32>
    %swap3A_23 = vector.shape_cast %swap3A_22 : vector<1x2x2500x128xi32> to vector<2x2500x128xi32>
    %swap3A_24 = vector.shape_cast %select_n3A_17 : vector<2x2500x128xi32> to vector<1x2x2500x128xi32>
    tpu.vector_store %arg1[%swap3A_18, %swap3A_19, %swap3A_20, %swap3A_21], %swap3A_24 {strides = array<i32>} : memref<2x2x2500x128xi32, #tpu.memory_space<vmem>>, vector<1x2x2500x128xi32>,
    return
  }
}

module attributes {stable_mosaic.version = 14 : i64} {
  func.func @_tc_h_stats_body(%arg0: i32, %arg1: memref<1600x128xf32, #tpu.memory_space<vmem>>, %arg2: memref<1600x16xf32, #tpu.memory_space<vmem>>, %arg3: memref<1600x128xf32, #tpu.memory_space<vmem>>, %arg4: memref<272x512xbf16, #tpu.memory_space<vmem>>, %arg5: memref<1x512xf32, #tpu.memory_space<vmem>>, %arg6: memref<1600x512xbf16, #tpu.memory_space<vmem>>, %arg7: memref<8x512xf32, #tpu.memory_space<vmem>>, %arg8: memref<8x512xf32, #tpu.memory_space<vmem>>) attributes {dimension_semantics = [#tpu.dimension_semantics<arbitrary>], iteration_bounds = array<i64: 200>, scalar_prefetch = 0 : i64, scratch_operands = 1 : i64, tpu.core_type = #tpu.core_type<tc>, window_params = [{transform_indices = @transform_0, window_bounds = array<i64: 1600, 128>}, {transform_indices = @transform_1, window_bounds = array<i64: 1600, 16>}, {transform_indices = @transform_2, window_bounds = array<i64: 1600, 128>}, {pipeline_mode = #tpu.pipeline_mode<synchronous>, transform_indices = @transform_3, window_bounds = array<i64: 272, 512>}, {pipeline_mode = #tpu.pipeline_mode<synchronous>, transform_indices = @transform_4, window_bounds = array<i64: 1, 512>}, {transform_indices = @transform_5, window_bounds = array<i64: 1600, 512>}, {pipeline_mode = #tpu.pipeline_mode<synchronous>, transform_indices = @transform_6, window_bounds = array<i64: 8, 512>}]} {
    %get3A = arith.constant 0 : index
    %get3A_0 = arith.constant 0 : index
    %get3A_1 = vector.load %arg1[%get3A, %get3A_0] : memref<1600x128xf32, #tpu.memory_space<vmem>>, vector<1600x128xf32>
    %convert_element_type3A = arith.truncf %get3A_1 : vector<1600x128xf32> to vector<1600x128xbf16>
    %get3A_2 = arith.constant 0 : index
    %get3A_3 = arith.constant 0 : index
    %get3A_4 = vector.load %arg4[%get3A_2, %get3A_3] : memref<272x512xbf16, #tpu.memory_space<vmem>>, vector<128x512xbf16>
    %dot_general3A = arith.constant dense<0.000000e+00> : vector<1600x512xf32>
    %dot_general3A_5 = tpu.matmul %convert_element_type3A, %get3A_4, %dot_general3A {dimension_numbers = #tpu.dot_dimension_numbers<[1], [0], [0], [1], [0, 0, 1, 1], [], []>, transpose_lhs_hint = false} : vector<1600x128xbf16>, vector<128x512xbf16>, vector<1600x512xf32> -> vector<1600x512xf32>
    %get3A_6 = arith.constant 0 : index
    %get3A_7 = arith.constant 0 : index
    %get3A_8 = vector.load %arg2[%get3A_6, %get3A_7] : memref<1600x16xf32, #tpu.memory_space<vmem>>, vector<1600x16xf32>
    %convert_element_type3A_9 = arith.truncf %get3A_8 : vector<1600x16xf32> to vector<1600x16xbf16>
    %get3A_10 = arith.constant 128 : index
    %get3A_11 = arith.constant 0 : index
    %get3A_12 = vector.load %arg4[%get3A_10, %get3A_11] : memref<272x512xbf16, #tpu.memory_space<vmem>>, vector<16x512xbf16>
    %dot_general3A_13 = arith.constant dense<0.000000e+00> : vector<1600x512xf32>
    %dot_general3A_14 = tpu.matmul %convert_element_type3A_9, %get3A_12, %dot_general3A_13 {dimension_numbers = #tpu.dot_dimension_numbers<[1], [0], [0], [1], [0, 0, 1, 1], [], []>, transpose_lhs_hint = false} : vector<1600x16xbf16>, vector<16x512xbf16>, vector<1600x512xf32> -> vector<1600x512xf32>
    %add3A = arith.addf %dot_general3A_5, %dot_general3A_14 : vector<1600x512xf32>
    %get3A_15 = arith.constant 0 : index
    %get3A_16 = arith.constant 0 : index
    %get3A_17 = vector.load %arg3[%get3A_15, %get3A_16] : memref<1600x128xf32, #tpu.memory_space<vmem>>, vector<1600x128xf32>
    %convert_element_type3A_18 = arith.truncf %get3A_17 : vector<1600x128xf32> to vector<1600x128xbf16>
    %get3A_19 = arith.constant 144 : index
    %get3A_20 = arith.constant 0 : index
    %get3A_21 = vector.load %arg4[%get3A_19, %get3A_20] : memref<272x512xbf16, #tpu.memory_space<vmem>>, vector<128x512xbf16>
    %dot_general3A_22 = arith.constant dense<0.000000e+00> : vector<1600x512xf32>
    %dot_general3A_23 = tpu.matmul %convert_element_type3A_18, %get3A_21, %dot_general3A_22 {dimension_numbers = #tpu.dot_dimension_numbers<[1], [0], [0], [1], [0, 0, 1, 1], [], []>, transpose_lhs_hint = false} : vector<1600x128xbf16>, vector<128x512xbf16>, vector<1600x512xf32> -> vector<1600x512xf32>
    %add3A_24 = arith.addf %add3A, %dot_general3A_23 : vector<1600x512xf32>
    %get3A_25 = arith.constant 0 : index
    %get3A_26 = arith.constant 0 : index
    %get3A_27 = vector.load %arg5[%get3A_25, %get3A_26] : memref<1x512xf32, #tpu.memory_space<vmem>>, vector<1x512xf32>
    %add3A_28 = vector.broadcast %get3A_27 : vector<1x512xf32> to vector<1600x512xf32>
    %add3A_29 = arith.addf %add3A_24, %add3A_28 : vector<1600x512xf32>
    %convert_element_type3A_30 = arith.truncf %add3A_29 : vector<1600x512xf32> to vector<1600x512xbf16>
    %swap3A = arith.constant 0 : index
    %swap3A_31 = arith.constant 0 : index
    %swap3A_32 = vector.load %arg6[%swap3A, %swap3A_31] : memref<1600x512xbf16, #tpu.memory_space<vmem>>, vector<1600x512xbf16>
    tpu.vector_store %arg6[%swap3A, %swap3A_31], %convert_element_type3A_30 {strides = array<i32>} : memref<1600x512xbf16, #tpu.memory_space<vmem>>, vector<1600x512xbf16>,
    %eq3A = arith.constant 0 : i32
    %eq3A_33 = arith.cmpi eq, %arg0, %eq3A : i32
    %convert_element_type3A_34 = arith.extui %eq3A_33 : i1 to i32
    %cond3A = arith.constant 0 : i32
    %cond3A_35 = arith.cmpi ne, %convert_element_type3A_34, %cond3A : i32
    scf.if %cond3A_35 {
      %broadcast_in_dim3A_59 = arith.constant 0.000000e+00 : f32
      %broadcast_in_dim3A_60 = vector.broadcast %broadcast_in_dim3A_59 : f32 to vector<8x512xf32>
      %swap3A_61 = arith.constant 0 : index
      %swap3A_62 = arith.constant 0 : index
      %swap3A_63 = vector.load %arg8[%swap3A_61, %swap3A_62] : memref<8x512xf32, #tpu.memory_space<vmem>>, vector<8x512xf32>
      tpu.vector_store %arg8[%swap3A_61, %swap3A_62], %broadcast_in_dim3A_60 {strides = array<i32>} : memref<8x512xf32, #tpu.memory_space<vmem>>, vector<8x512xf32>,
    } else {
    }
    %get3A_36 = arith.constant 0 : index
    %get3A_37 = arith.constant 0 : index
    %get3A_38 = vector.load %arg8[%get3A_36, %get3A_37] : memref<8x512xf32, #tpu.memory_space<vmem>>, vector<1x512xf32>
    %reduce_sum3A = arith.constant dense<0.000000e+00> : vector<512xf32>
    %reduce_sum3A_39 = vector.multi_reduction <add>, %add3A_29, %reduce_sum3A [0] : vector<1600x512xf32> to vector<512xf32>
    %broadcast_in_dim3A = vector.shape_cast %reduce_sum3A_39 : vector<512xf32> to vector<1x512xf32>
    %add3A_40 = arith.addf %get3A_38, %broadcast_in_dim3A : vector<1x512xf32>
    %swap3A_41 = arith.constant 0 : index
    %swap3A_42 = arith.constant 0 : index
    %swap3A_43 = vector.load %arg8[%swap3A_41, %swap3A_42] : memref<8x512xf32, #tpu.memory_space<vmem>>, vector<1x512xf32>
    tpu.vector_store %arg8[%swap3A_41, %swap3A_42], %add3A_40 {strides = array<i32>} : memref<8x512xf32, #tpu.memory_space<vmem>>, vector<1x512xf32>,
    %get3A_44 = arith.constant 1 : index
    %get3A_45 = arith.constant 0 : index
    %get3A_46 = vector.load %arg8[%get3A_44, %get3A_45] : memref<8x512xf32, #tpu.memory_space<vmem>>, vector<1x512xf32>
    %mul3A = arith.mulf %add3A_29, %add3A_29 : vector<1600x512xf32>
    %reduce_sum3A_47 = arith.constant dense<0.000000e+00> : vector<512xf32>
    %reduce_sum3A_48 = vector.multi_reduction <add>, %mul3A, %reduce_sum3A_47 [0] : vector<1600x512xf32> to vector<512xf32>
    %broadcast_in_dim3A_49 = vector.shape_cast %reduce_sum3A_48 : vector<512xf32> to vector<1x512xf32>
    %add3A_50 = arith.addf %get3A_46, %broadcast_in_dim3A_49 : vector<1x512xf32>
    %swap3A_51 = arith.constant 1 : index
    %swap3A_52 = arith.constant 0 : index
    %swap3A_53 = vector.load %arg8[%swap3A_51, %swap3A_52] : memref<8x512xf32, #tpu.memory_space<vmem>>, vector<1x512xf32>
    tpu.vector_store %arg8[%swap3A_51, %swap3A_52], %add3A_50 {strides = array<i32>} : memref<8x512xf32, #tpu.memory_space<vmem>>, vector<1x512xf32>,
    %eq3A_54 = arith.constant 199 : i32
    %eq3A_55 = arith.cmpi eq, %arg0, %eq3A_54 : i32
    %convert_element_type3A_56 = arith.extui %eq3A_55 : i1 to i32
    %cond3A_57 = arith.constant 0 : i32
    %cond3A_58 = arith.cmpi ne, %convert_element_type3A_56, %cond3A_57 : i32
    scf.if %cond3A_58 {
      %get3A_59 = arith.constant 0 : index
      %get3A_60 = arith.constant 0 : index
      %get3A_61 = vector.load %arg8[%get3A_59, %get3A_60] : memref<8x512xf32, #tpu.memory_space<vmem>>, vector<8x512xf32>
      %swap3A_62 = arith.constant 0 : index
      %swap3A_63 = arith.constant 0 : index
      %swap3A_64 = vector.load %arg7[%swap3A_62, %swap3A_63] : memref<8x512xf32, #tpu.memory_space<vmem>>, vector<8x512xf32>
      tpu.vector_store %arg7[%swap3A_62, %swap3A_63], %get3A_61 {strides = array<i32>} : memref<8x512xf32, #tpu.memory_space<vmem>>, vector<8x512xf32>,
    } else {
    }
    return
  }
  func.func @transform_0(%arg0: i32) -> (i32, i32) {
    %c0_i32 = arith.constant 0 : i32
    %c0_i32_0 = arith.constant 0 : i32
    return %arg0, %c0_i32 : i32, i32
  }
  func.func @transform_1(%arg0: i32) -> (i32, i32) {
    %c0_i32 = arith.constant 0 : i32
    %c0_i32_0 = arith.constant 0 : i32
    return %arg0, %c0_i32 : i32, i32
  }
  func.func @transform_2(%arg0: i32) -> (i32, i32) {
    %c0_i32 = arith.constant 0 : i32
    %c0_i32_0 = arith.constant 0 : i32
    return %arg0, %c0_i32 : i32, i32
  }
  func.func @transform_3(%arg0: i32) -> (i32, i32) {
    %c0_i32 = arith.constant 0 : i32
    %c0_i32_0 = arith.constant 0 : i32
    %c0_i32_1 = arith.constant 0 : i32
    return %c0_i32, %c0_i32_0 : i32, i32
  }
  func.func @transform_4(%arg0: i32) -> (i32, i32) {
    %c0_i32 = arith.constant 0 : i32
    %c0_i32_0 = arith.constant 0 : i32
    %c0_i32_1 = arith.constant 0 : i32
    return %c0_i32, %c0_i32_0 : i32, i32
  }
  func.func @transform_5(%arg0: i32) -> (i32, i32) {
    %c0_i32 = arith.constant 0 : i32
    %c0_i32_0 = arith.constant 0 : i32
    return %arg0, %c0_i32 : i32, i32
  }
  func.func @transform_6(%arg0: i32) -> (i32, i32) {
    %c0_i32 = arith.constant 0 : i32
    %c0_i32_0 = arith.constant 0 : i32
    %c0_i32_1 = arith.constant 0 : i32
    return %c0_i32, %c0_i32_0 : i32, i32
  }
}

module attributes {stable_mosaic.version = 14 : i64} {
  func.func @_tc_norm_body(%arg0: i32, %arg1: memref<1600x512xbf16, #tpu.memory_space<vmem>>, %arg2: memref<8x512xf32, #tpu.memory_space<vmem>>, %arg3: memref<1x512xf32, #tpu.memory_space<vmem>>, %arg4: memref<1x512xf32, #tpu.memory_space<vmem>>, %arg5: memref<512x384xbf16, #tpu.memory_space<vmem>>, %arg6: memref<1x384xf32, #tpu.memory_space<vmem>>, %arg7: memref<1600x128xf32, #tpu.memory_space<vmem>>, %arg8: memref<1600x128xf32, #tpu.memory_space<vmem>>, %arg9: memref<1600x128xf32, #tpu.memory_space<vmem>>) attributes {dimension_semantics = [#tpu.dimension_semantics<arbitrary>], iteration_bounds = array<i64: 200>, scalar_prefetch = 0 : i64, scratch_operands = 0 : i64, tpu.core_type = #tpu.core_type<tc>, window_params = [{transform_indices = @transform_0, window_bounds = array<i64: 1600, 512>}, {pipeline_mode = #tpu.pipeline_mode<synchronous>, transform_indices = @transform_1, window_bounds = array<i64: 8, 512>}, {pipeline_mode = #tpu.pipeline_mode<synchronous>, transform_indices = @transform_2, window_bounds = array<i64: 1, 512>}, {pipeline_mode = #tpu.pipeline_mode<synchronous>, transform_indices = @transform_3, window_bounds = array<i64: 1, 512>}, {pipeline_mode = #tpu.pipeline_mode<synchronous>, transform_indices = @transform_4, window_bounds = array<i64: 512, 384>}, {pipeline_mode = #tpu.pipeline_mode<synchronous>, transform_indices = @transform_5, window_bounds = array<i64: 1, 384>}, {transform_indices = @transform_6, window_bounds = array<i64: 1600, 128>}, {transform_indices = @transform_7, window_bounds = array<i64: 1600, 128>}, {transform_indices = @transform_8, window_bounds = array<i64: 1600, 128>}]} {
    %get3A = arith.constant 0 : index
    %get3A_0 = arith.constant 0 : index
    %get3A_1 = vector.load %arg2[%get3A, %get3A_0] : memref<8x512xf32, #tpu.memory_space<vmem>>, vector<1x512xf32>
    %mul3A = arith.constant 3.125000e-06 : f32
    %mul3A_2 = vector.broadcast %mul3A : f32 to vector<1x512xf32>
    %mul3A_3 = arith.mulf %get3A_1, %mul3A_2 : vector<1x512xf32>
    %get3A_4 = arith.constant 1 : index
    %get3A_5 = arith.constant 0 : index
    %get3A_6 = vector.load %arg2[%get3A_4, %get3A_5] : memref<8x512xf32, #tpu.memory_space<vmem>>, vector<1x512xf32>
    %mul3A_7 = arith.constant 3.125000e-06 : f32
    %mul3A_8 = vector.broadcast %mul3A_7 : f32 to vector<1x512xf32>
    %mul3A_9 = arith.mulf %get3A_6, %mul3A_8 : vector<1x512xf32>
    %mul3A_10 = arith.mulf %mul3A_3, %mul3A_3 : vector<1x512xf32>
    %sub3A = arith.subf %mul3A_9, %mul3A_10 : vector<1x512xf32>
    %get3A_11 = arith.constant 0 : index
    %get3A_12 = arith.constant 0 : index
    %get3A_13 = vector.load %arg3[%get3A_11, %get3A_12] : memref<1x512xf32, #tpu.memory_space<vmem>>, vector<1x512xf32>
    %add3A = arith.constant 9.99999974E-6 : f32
    %add3A_14 = vector.broadcast %add3A : f32 to vector<1x512xf32>
    %add3A_15 = arith.addf %sub3A, %add3A_14 : vector<1x512xf32>
    %rsqrt3A = math.rsqrt %add3A_15 : vector<1x512xf32>
    %mul3A_16 = arith.mulf %get3A_13, %rsqrt3A : vector<1x512xf32>
    %get3A_17 = arith.constant 0 : index
    %get3A_18 = arith.constant 0 : index
    %get3A_19 = vector.load %arg4[%get3A_17, %get3A_18] : memref<1x512xf32, #tpu.memory_space<vmem>>, vector<1x512xf32>
    %mul3A_20 = arith.mulf %mul3A_3, %mul3A_16 : vector<1x512xf32>
    %sub3A_21 = arith.subf %get3A_19, %mul3A_20 : vector<1x512xf32>
    %get3A_22 = arith.constant 0 : index
    %get3A_23 = arith.constant 0 : index
    %get3A_24 = vector.load %arg1[%get3A_22, %get3A_23] : memref<1600x512xbf16, #tpu.memory_space<vmem>>, vector<1600x512xbf16>
    %convert_element_type3A = arith.extf %get3A_24 : vector<1600x512xbf16> to vector<1600x512xf32>
    %mul3A_25 = vector.broadcast %mul3A_16 : vector<1x512xf32> to vector<1600x512xf32>
    %mul3A_26 = arith.mulf %convert_element_type3A, %mul3A_25 : vector<1600x512xf32>
    %add3A_27 = vector.broadcast %sub3A_21 : vector<1x512xf32> to vector<1600x512xf32>
    %add3A_28 = arith.addf %mul3A_26, %add3A_27 : vector<1600x512xf32>
    %max3A = arith.constant 0.000000e+00 : f32
    %max3A_29 = vector.broadcast %max3A : f32 to vector<1600x512xf32>
    %max3A_30 = arith.maximumf %add3A_28, %max3A_29 : vector<1600x512xf32>
    %convert_element_type3A_31 = arith.truncf %max3A_30 : vector<1600x512xf32> to vector<1600x512xbf16>
    %get3A_32 = arith.constant 0 : index
    %get3A_33 = arith.constant 0 : index
    %get3A_34 = vector.load %arg5[%get3A_32, %get3A_33] : memref<512x384xbf16, #tpu.memory_space<vmem>>, vector<512x384xbf16>
    %dot_general3A = arith.constant dense<0.000000e+00> : vector<1600x384xf32>
    %dot_general3A_35 = tpu.matmul %convert_element_type3A_31, %get3A_34, %dot_general3A {dimension_numbers = #tpu.dot_dimension_numbers<[1], [0], [0], [1], [0, 0, 1, 1], [], []>, transpose_lhs_hint = false} : vector<1600x512xbf16>, vector<512x384xbf16>, vector<1600x384xf32> -> vector<1600x384xf32>
    %get3A_36 = arith.constant 0 : index
    %get3A_37 = arith.constant 0 : index
    %get3A_38 = vector.load %arg6[%get3A_36, %get3A_37] : memref<1x384xf32, #tpu.memory_space<vmem>>, vector<1x384xf32>
    %add3A_39 = vector.broadcast %get3A_38 : vector<1x384xf32> to vector<1600x384xf32>
    %add3A_40 = arith.addf %dot_general3A_35, %add3A_39 : vector<1600x384xf32>
    %slice3A = vector.extract_strided_slice %add3A_40 {offsets = [0, 0], sizes = [1600, 128], strides = [1, 1]} : vector<1600x384xf32> to vector<1600x128xf32>
    %swap3A = arith.constant 0 : index
    %swap3A_41 = arith.constant 0 : index
    %swap3A_42 = vector.load %arg7[%swap3A, %swap3A_41] : memref<1600x128xf32, #tpu.memory_space<vmem>>, vector<1600x128xf32>
    tpu.vector_store %arg7[%swap3A, %swap3A_41], %slice3A {strides = array<i32>} : memref<1600x128xf32, #tpu.memory_space<vmem>>, vector<1600x128xf32>,
    %slice3A_43 = vector.extract_strided_slice %add3A_40 {offsets = [0, 128], sizes = [1600, 128], strides = [1, 1]} : vector<1600x384xf32> to vector<1600x128xf32>
    %swap3A_44 = arith.constant 0 : index
    %swap3A_45 = arith.constant 0 : index
    %swap3A_46 = vector.load %arg8[%swap3A_44, %swap3A_45] : memref<1600x128xf32, #tpu.memory_space<vmem>>, vector<1600x128xf32>
    tpu.vector_store %arg8[%swap3A_44, %swap3A_45], %slice3A_43 {strides = array<i32>} : memref<1600x128xf32, #tpu.memory_space<vmem>>, vector<1600x128xf32>,
    %slice3A_47 = vector.extract_strided_slice %add3A_40 {offsets = [0, 256], sizes = [1600, 128], strides = [1, 1]} : vector<1600x384xf32> to vector<1600x128xf32>
    %swap3A_48 = arith.constant 0 : index
    %swap3A_49 = arith.constant 0 : index
    %swap3A_50 = vector.load %arg9[%swap3A_48, %swap3A_49] : memref<1600x128xf32, #tpu.memory_space<vmem>>, vector<1600x128xf32>
    tpu.vector_store %arg9[%swap3A_48, %swap3A_49], %slice3A_47 {strides = array<i32>} : memref<1600x128xf32, #tpu.memory_space<vmem>>, vector<1600x128xf32>,
    return
  }
  func.func @transform_0(%arg0: i32) -> (i32, i32) {
    %c0_i32 = arith.constant 0 : i32
    %c0_i32_0 = arith.constant 0 : i32
    return %arg0, %c0_i32 : i32, i32
  }
  func.func @transform_1(%arg0: i32) -> (i32, i32) {
    %c0_i32 = arith.constant 0 : i32
    %c0_i32_0 = arith.constant 0 : i32
    %c0_i32_1 = arith.constant 0 : i32
    return %c0_i32, %c0_i32_0 : i32, i32
  }
  func.func @transform_2(%arg0: i32) -> (i32, i32) {
    %c0_i32 = arith.constant 0 : i32
    %c0_i32_0 = arith.constant 0 : i32
    %c0_i32_1 = arith.constant 0 : i32
    return %c0_i32, %c0_i32_0 : i32, i32
  }
  func.func @transform_3(%arg0: i32) -> (i32, i32) {
    %c0_i32 = arith.constant 0 : i32
    %c0_i32_0 = arith.constant 0 : i32
    %c0_i32_1 = arith.constant 0 : i32
    return %c0_i32, %c0_i32_0 : i32, i32
  }
  func.func @transform_4(%arg0: i32) -> (i32, i32) {
    %c0_i32 = arith.constant 0 : i32
    %c0_i32_0 = arith.constant 0 : i32
    %c0_i32_1 = arith.constant 0 : i32
    return %c0_i32, %c0_i32_0 : i32, i32
  }
  func.func @transform_5(%arg0: i32) -> (i32, i32) {
    %c0_i32 = arith.constant 0 : i32
    %c0_i32_0 = arith.constant 0 : i32
    %c0_i32_1 = arith.constant 0 : i32
    return %c0_i32, %c0_i32_0 : i32, i32
  }
  func.func @transform_6(%arg0: i32) -> (i32, i32) {
    %c0_i32 = arith.constant 0 : i32
    %c0_i32_0 = arith.constant 0 : i32
    return %arg0, %c0_i32 : i32, i32
  }
  func.func @transform_7(%arg0: i32) -> (i32, i32) {
    %c0_i32 = arith.constant 0 : i32
    %c0_i32_0 = arith.constant 0 : i32
    return %arg0, %c0_i32 : i32, i32
  }
  func.func @transform_8(%arg0: i32) -> (i32, i32) {
    %c0_i32 = arith.constant 0 : i32
    %c0_i32_0 = arith.constant 0 : i32
    return %arg0, %c0_i32 : i32, i32
  }
}

module attributes {stable_mosaic.version = 14 : i64} {
  func.func @_tc_final_body(%arg0: i32, %arg1: memref<1000x128xf32, #tpu.memory_space<vmem>>, %arg2: memref<128x128xf32, #tpu.memory_space<vmem>>, %arg3: memref<1x128xf32, #tpu.memory_space<vmem>>, %arg4: memref<1000x128xf32, #tpu.memory_space<vmem>>) attributes {dimension_semantics = [#tpu.dimension_semantics<arbitrary>], iteration_bounds = array<i64: 10>, scalar_prefetch = 0 : i64, scratch_operands = 0 : i64, tpu.core_type = #tpu.core_type<tc>, window_params = [{transform_indices = @transform_0, window_bounds = array<i64: 1000, 128>}, {pipeline_mode = #tpu.pipeline_mode<synchronous>, transform_indices = @transform_1, window_bounds = array<i64: 128, 128>}, {pipeline_mode = #tpu.pipeline_mode<synchronous>, transform_indices = @transform_2, window_bounds = array<i64: 1, 128>}, {transform_indices = @transform_3, window_bounds = array<i64: 1000, 128>}]} {
    %get3A = arith.constant 0 : index
    %get3A_0 = arith.constant 0 : index
    %get3A_1 = vector.load %arg1[%get3A, %get3A_0] : memref<1000x128xf32, #tpu.memory_space<vmem>>, vector<1000x128xf32>
    %get3A_2 = arith.constant 0 : index
    %get3A_3 = arith.constant 0 : index
    %get3A_4 = vector.load %arg2[%get3A_2, %get3A_3] : memref<128x128xf32, #tpu.memory_space<vmem>>, vector<128x128xf32>
    %dot_general3A = arith.constant dense<0.000000e+00> : vector<1000x128xf32>
    %dot_general3A_5 = tpu.matmul %get3A_1, %get3A_4, %dot_general3A {dimension_numbers = #tpu.dot_dimension_numbers<[1], [0], [0], [1], [0, 0, 1, 1], [], []>, transpose_lhs_hint = false} : vector<1000x128xf32>, vector<128x128xf32>, vector<1000x128xf32> -> vector<1000x128xf32>
    %get3A_6 = arith.constant 0 : index
    %get3A_7 = arith.constant 0 : index
    %get3A_8 = vector.load %arg3[%get3A_6, %get3A_7] : memref<1x128xf32, #tpu.memory_space<vmem>>, vector<1x128xf32>
    %add3A = vector.broadcast %get3A_8 : vector<1x128xf32> to vector<1000x128xf32>
    %add3A_9 = arith.addf %dot_general3A_5, %add3A : vector<1000x128xf32>
    %swap3A = arith.constant 0 : index
    %swap3A_10 = arith.constant 0 : index
    %swap3A_11 = vector.load %arg4[%swap3A, %swap3A_10] : memref<1000x128xf32, #tpu.memory_space<vmem>>, vector<1000x128xf32>
    tpu.vector_store %arg4[%swap3A, %swap3A_10], %add3A_9 {strides = array<i32>} : memref<1000x128xf32, #tpu.memory_space<vmem>>, vector<1000x128xf32>,
    return
  }
  func.func @transform_0(%arg0: i32) -> (i32, i32) {
    %c0_i32 = arith.constant 0 : i32
    %c0_i32_0 = arith.constant 0 : i32
    return %arg0, %c0_i32 : i32, i32
  }
  func.func @transform_1(%arg0: i32) -> (i32, i32) {
    %c0_i32 = arith.constant 0 : i32
    %c0_i32_0 = arith.constant 0 : i32
    %c0_i32_1 = arith.constant 0 : i32
    return %c0_i32, %c0_i32_0 : i32, i32
  }
  func.func @transform_2(%arg0: i32) -> (i32, i32) {
    %c0_i32 = arith.constant 0 : i32
    %c0_i32_0 = arith.constant 0 : i32
    %c0_i32_1 = arith.constant 0 : i32
    return %c0_i32, %c0_i32_0 : i32, i32
  }
  func.func @transform_3(%arg0: i32) -> (i32, i32) {
    %c0_i32 = arith.constant 0 : i32
    %c0_i32_0 = arith.constant 0 : i32
    return %arg0, %c0_i32 : i32, i32
  }
}

</mosaic_0001>

<sc_bundles>
// kernel: kernel.11.cloned.1.call-start
scs
__scs_entry_jumppad:
0x0: {  	(pc) =	sbr.rel $0x88, $3  }
0x1: {  	(tag) =	ssettag $0x0;
	lr =	simm.s32 $0x1  }
0x2: {  	[smem:$0x3F96] =	sst lr;
	_ =	strace $0xD0000000  }
0x3: {  	_ = 	snop  }
0x4: {  	_ = 	snop  }
0x5: {  	_ = 	snop  }
0x6: {  	_ = 	snop  }
0x7: {  	_ = 	snop  }
__scs_overlays_trampoline_lowered:
0x8: {  	[smem:$0x3FA5] =	sst s0  }
0x9: {  	[smem:$0x3FA6] =	sst s1  }
0xa: {  	[smem:$0x3FA7] =	sst s2  }
0xb: {  	[smem:$0x3FA8] =	sst s3  }
0xc: {  	[smem:$0x3FA9] =	sst s4  }
0xd: {  	[smem:$0x3FAA] =	sst s5  }
0xe: {  	[smem:$0x3FAB] =	sst s6  }
0xf: {  	[smem:$0x3FAC] =	sst s7  }
0x10: {  	[smem:$0x3FAD] =	sst s8  }
0x11: {  	[smem:$0x3FAE] =	sst s9;
	s0 =	simm.s32 @!p0 $0x0  }
0x12: {  	s1 =	sld [smem:$0x3F94];
	s0 =	simm.s32 @p0 $0x1  }
0x13: {  	[smem:$0x3FAF] =	sst s0;
	s0 =	simm.s32 @!p1 $0x0  }
0x14: {  	s2 =	sld [smem:$0x3F93];
	s0 =	simm.s32 @p1 $0x1  }
0x15: {  	[smem:$0x3FB0] =	sst s0;
	s0 =	simm.s32 @!p2 $0x0  }
0x16: {  	s3 =	sld [smem:$0x3FDB];
	s0 =	simm.s32 @p2 $0x1  }
0x17: {  	s4 =	simm.s32 $0x1BF5;
	[smem:$0x3FB2] =	sst s0  }
0x18: {  	s0 =	sld [smem:$0x3F95];
	_ =	swait.ge [sflag:s4], $0x0  }
0x19: {  	s7 =	sld [smem:$0x3F96]  }
0x1a: {  	s8 =	sadd.s32 $0xFFFFE003, lr  }
0x1b: {  	s9 =	sadd.s32 $0xFFFFFEF7, lr;
	s5 =	simm.s32 $0xFFFFFFFF;
	p2 =	slt.u32 s8, $0xFFFFF086  }
0x1c: {  	p1 =	slt.u32 s9, $0xF7A;
	s5 =	simm.s32 @!p2 $0x0  }
0x1d: {  	s5 =	simm.s32 @p1 $0x1;
	p0 =	seq.s32 s7, s2  }
0x1e: {  	s7 =	smul.u32 @!p0 $0xF7A, s2;
	p2 =	seq.s32 @!p0 s5, $0x0  }
0x1f: {  	s9 =	smul.u32 $0xF7A, s1;
	s8 =	simm.s32 @!p0 $0x1BF5;
	p2 =	por !p2, p0  }
0x20: {  	[sflag:s8] =	ssyncset.s32 @!p0 $0xFFFFF086;
	s6 =	sadd.s32 @!p0 s3, s7;
	s7 =	simm.s32 @!p0 $0x108  }
0x21: {  	s3 =	sadd.s32 s3, s9;
	s6 =	sadd.s32 @!p0 $0x88, s6;
	s7 =	simm.s32 @p2 $0x1082  }
0x22: {  	[simem:s7], [sflag:s8] =	dma.local @!p0 [hbm:s6], $0xF7A  }
0x23: {  	s9 =	sor.u32 $0xD0000000, s2;
	s6 =	simm.s32 $0x108;
	_ =	swait.ge @!p0 [sflag:s8], $0x0  }
0x24: {  	s3 =	sadd.s32 $0x88, s3;
	s6 =	simm.s32 @!p1 $0x1082;
	[sflag:s4] =	ssyncset.s32 $0xFFFFF086  }
0x25: {  	[simem:s6], [sflag:s4] =	dma.local [hbm:s3], $0xF7A  }
0x26: {  	[smem:$0x3F96] =	sst s1;
	(tag) =	ssettag s2;
	_ =	strace s9  }
0x27: {  	s1 =	sld [smem:$0x3FA6]  }
0x28: {  	s2 =	sld [smem:$0x3FA7]  }
0x29: {  	s4 =	sld [smem:$0x3FA9]  }
0x2a: {  	p0 =	seq.s32 s5, $0x0;
	s5 =	sld [smem:$0x3FAA]  }
0x2b: {  	s6 =	sld [smem:$0x3FAB]  }
0x2c: {  	s7 =	sld [smem:$0x3FAC]  }
0x2d: {  	s3 =	simm.s32 $0x108;
	s8 =	sld [smem:$0x3FAD]  }
0x2e: {  	s3 =	simm.s32 @!p0 $0x1082;
	s9 =	sld [smem:$0x3FAE]  }
0x2f: {  	lr =	sadd.s32 s0, s3;
	s0 =	sld [smem:$0x3FA5]  }
0x30: {  	s3 =	sld [smem:$0x3FA8]  }
0x31: {  	[smem:$0x3FB1] =	sst s10  }
0x32: {  	s10 =	sld [smem:$0x3FAF];
	_ =	sdelay $0x3  }
0x33: {  	p0 =	seq.s32 s10, $0x1;
	s10 =	sld [smem:$0x3FB1];
	_ =	sdelay $0x3  }
0x34: {  	[smem:$0x3FB1] =	sst s10  }
0x35: {  	s10 =	sld [smem:$0x3FB0];
	_ =	sdelay $0x3  }
0x36: {  	p1 =	seq.s32 s10, $0x1;
	s10 =	sld [smem:$0x3FB1];
	_ =	sdelay $0x3  }
0x37: {  	[smem:$0x3FB1] =	sst s10  }
0x38: {  	s10 =	sld [smem:$0x3FB2]  }
0x39: {  	_ = 	snop;
	(pc) =	sbr.ind lr, $3  }
0x3a: {  	_ = 	snop  }
0x3b: {  	_ = 	snop  }
0x3c: {  	p2 =	seq.s32 s10, $0x1;
	s10 =	sld [smem:$0x3FB1]  }
0x3d: {  	_ =	shalt  }
0x3e: {  	_ =	shalt  }
0x3f: {  	_ =	shalt  }
0x40: {  	_ =	shalt  }
0x41: {  	_ =	shalt  }
0x42: {  	_ =	shalt  }
0x43: {  	_ =	shalt  }
0x44: {  	_ =	shalt  }
0x45: {  	_ =	shalt  }
0x46: {  	_ =	shalt  }
0x47: {  	_ =	shalt  }
0x48: {  	_ =	shalt  }
0x49: {  	_ =	shalt  }
0x4a: {  	_ =	shalt  }
0x4b: {  	_ =	shalt  }
0x4c: {  	_ =	shalt  }
0x4d: {  	_ =	shalt  }
0x4e: {  	_ =	shalt  }
0x4f: {  	_ =	shalt  }
0x50: {  	_ =	shalt  }
0x51: {  	_ =	shalt  }
0x52: {  	_ =	shalt  }
0x53: {  	_ =	shalt  }
0x54: {  	_ =	shalt  }
0x55: {  	_ =	shalt  }
0x56: {  	_ =	shalt  }
0x57: {  	_ =	shalt  }
0x58: {  	_ =	shalt  }
0x59: {  	_ =	shalt  }
0x5a: {  	_ =	shalt  }
0x5b: {  	_ =	shalt  }
0x5c: {  	_ =	shalt  }
0x5d: {  	_ =	shalt  }
0x5e: {  	_ =	shalt  }
0x5f: {  	_ =	shalt  }
0x60: {  	_ =	shalt  }
0x61: {  	_ =	shalt  }
0x62: {  	_ =	shalt  }
0x63: {  	_ =	shalt  }
0x64: {  	_ =	shalt  }
0x65: {  	_ =	shalt  }
0x66: {  	_ =	shalt  }
0x67: {  	_ =	shalt  }
0x68: {  	_ =	shalt  }
0x69: {  	_ =	shalt  }
0x6a: {  	_ =	shalt  }
0x6b: {  	_ =	shalt  }
0x6c: {  	_ =	shalt  }
0x6d: {  	_ =	shalt  }
0x6e: {  	_ =	shalt  }
0x6f: {  	_ =	shalt  }
0x70: {  	_ =	shalt  }
0x71: {  	_ =	shalt  }
0x72: {  	_ =	shalt  }
0x73: {  	_ =	shalt  }
0x74: {  	_ =	shalt  }
0x75: {  	_ =	shalt  }
0x76: {  	_ =	shalt  }
0x77: {  	_ =	shalt  }
0x78: {  	_ =	shalt  }
0x79: {  	_ =	shalt  }
0x7a: {  	_ =	shalt  }
0x7b: {  	_ =	shalt  }
0x7c: {  	_ =	shalt  }
0x7d: {  	_ =	shalt  }
0x7e: {  	_ =	shalt  }
0x7f: {  	_ =	shalt  }
0x80: {  	_ =	shalt  }
0x81: {  	_ =	shalt  }
0x82: {  	_ =	shalt  }
0x83: {  	_ =	shalt  }
0x84: {  	_ =	shalt  }
0x85: {  	_ =	shalt  }
0x86: {  	_ =	shalt  }
0x87: {  	_ =	shalt  }
.Lfunc_end0:
.L_simem_size_0:
called_computation.1_lowered:
.L_overlay_start_0:
0x88: {  	s2 =	sld [smem:$0x3FD9]  }
0x89: {  	s3 =	sld [smem:$0x3FFE];
	_ =	sdelay $0x1  }
0x8a: {  	s1 =	srdreg.scid  }
0x8b: {  	s0 =	sand.u32 $0x1, s1  }
0x8c: {  	s14 =	sshll.u32 s0, $0xA;
	s2 =	sadd.s32 s3, s2  }
0x8d: {  	s2 =	sadd.s32 s2, s14  }
0x8e: {  	[smem:$0x3FBD] =	sst s2  }
0x8f: {  	_ = 	snop  }
0x90: {  	s2 =	sld [smem:$0x3FD0];
	_ =	sdelay $0x2  }
0x91: {  	s15 =	simm.s32 $0xA;
	s4 =	simm.s32 $0x10  }
0x92: {  	[smem:s4], [sflag:s15] =	dma.local [hbm:s2], $0x1  }
0x93: {  	_ =	swait.eq [sflag:s15], $0x1  }
0x94: {  	[sflag:s15] =	ssyncset.done $0x0  }
0x95: {  	[sflag:s15] =	ssyncadd.s32 $0xFFFFFFFF  }
0x96: {  	s16 =	sld [smem:$0x10];
	(tm) =	ssettm $0x1  }
0x97: {  	s17 =	sld [smem:$0x3FFB];
	_ =	sdelay $0x3  }
0x98: {  	_ =	strace s17  }
0x99: {  	s3 =	sld [smem:$0x3FFC];
	_ =	sdelay $0x3  }
0x9a: {  	_ =	strace s3  }
0x9b: {  	s3 =	sld [smem:$0x3FFD];
	_ =	sdelay $0x3  }
0x9c: {  	_ =	strace s3  }
0x9d: {  	_ =	strace $0x8FFFFFFF  }
0x9e: {  	s18 =	sld [smem:$0x3FDB];
	_ =	sdelay $0x1  }
0x9f: {  	s19 =	simm.s32 $_scs_section_size  }
0xa0: {  	s5 =	simm.s32 $_size__tile_overlayer_lowered;
	s6 =	simm.s32 $_tile_overlayer_lowered  }
0xa1: {  	s22 =	simm.s32 $0x1BFF;
	s21 =	sshll.u32 s6, $0x1;
	s3 =	sadd.s32 s19, s18  }
0xa2: {  	s7 =	simm.s32 $0x0;
	s20 =	sshll.u32 s5, $0x1;
	s5 =	sadd.s32 s21, s3  }
0xa3: {  	[timem:s7], [sflag:s22] =	dma.local [hbm:s5], s20  }
0xa4: {  	_ =	swait.ge [sflag:s22], s20  }
0xa5: {  	s4 =	ssub.s32 $0x0, s20;
	[sflag:s22] =	ssyncset.done $0x0  }
0xa6: {  	[sflag:s22] =	ssyncadd.s32 s4;
	_ =	sdelay $0x1  }
0xa7: {  	s23 =	simm.s32 $0x1B8B  }
0xa8: {  	_ =	swait.ge [sflag:s23], $0x1  }
0xa9: {  	[sflag:s23] =	ssyncset.done $0x0  }
0xaa: {  	s25 =	simm.s32 $0x1B8E;
	s24 =	sld [smem:$0x3FFE];
	[sflag:s23] =	ssyncadd.s32 $0xFFFFFFFF  }
0xab: {  	s26 =	simm.s32 $execute0_lowered;
	[smem:$0x3FD2] =	sst s25  }
0xac: {  	s5 =	sshll.u32 s26, $0x1;
	_ =	strace $0x80000049;
	[dreg:$0x1] =	wrdreg $0xFFFFFFFF  }
0xad: {  	s28 =	simm.s32 $_size_execute0_lowered;
	s3 =	sadd.s32 s3, s5;
	[dreg:$0x0] =	wrdreg $0x0  }
0xae: {  	s5 =	sshll.u32 s28, $0x1;
	[dreg:$0x2] =	wrdreg s3  }
0xaf: {  	[dreg:$0x3] =	wrdreg s5  }
0xb0: {  	[dreg:$0x4] =	wrdreg $0xC0  }
0xb1: {  	_ =	task [dreg:s7], $0x5FFFF  }
0xb2: {  	[dreg:$0x1] =	wrdreg $0xFFFFFFFF  }
0xb3: {  	[dreg:$0x0] =	wrdreg $0x60  }
0xb4: {  	[dreg:$0x2] =	wrdreg s24  }
0xb5: {  	[dreg:$0x3] =	wrdreg s16  }
0xb6: {  	[dreg:$0x4] =	wrdreg $0x150000  }
0xb7: {  	[dreg:$0x5] =	wrdreg $0x9  }
0xb8: {  	_ =	task.clear_ibuf [dreg:s7], $0x6FFFF;
	_ =	strace $0x90000049  }
0xb9: {  	s29 =	simm.s32 $0x9;
	_ =	strace $0x8000004B  }
0xba: {  	_ =	swait.ge [sflag:s29], $0x1  }
0xbb: {  	[sflag:s29] =	ssyncadd.s32 $0xFFFFFFFF  }
0xbc: {  	_ =	strace $0x9000004B  }
0xbd: {  	_ =	sfence  }
0xbe: {  	s30 =	sld [smem:$0x0];
	_ =	sdelay $0x2  }
0xbf: {  	s31 =	sshll.u32 s1, $0xD;
	s1 =	sshrl.u32 s1, $0x2  }
0xc0: {  	s3 =	sand.u32 $0x4000, s31;
	s1 =	sadd.s32 s1, s30  }
0xc1: {  	s0 =	sor.u32 s3, s0;
	s1 =	sshll.u32 s1, $0x11  }
0xc2: {  	s0 =	sor.u32 s1, s0  }
0xc3: {  	s0 =	sadd.s32 $0x8F2B, s0  }
0xc4: {  	[sflag:s0] =	ssyncadd.remote.s32 $0x1  }
0xc5: {  	_ =	sfence.sel $0xFFFF  }
0xc6: {  	[dreg:$0x0] =	wrdreg $0xFFFFFFFF;
	(pc) =	sbr.abs _section_cstart, $3  }
0xc7: {  	[dreg:$0x1] =	wrdreg $0xFFFFFFFF  }
0xc8: {  	_ =	task.clear_ibuf [dreg:s7], $0x2FFFF;
	_ =	strace $0x9FFFFFFF  }
0xc9: {  	(tm) =	ssettm $0x7FFFFFFF  }
tec
execute0_lowered:
.L_overlay_start_1:
0x0: {  	(tag) =	ssettag $0x1  }
0x1: {  	s6 =	rddreg [dreg:$0x0]  }
0x2: {  	s8 =	rddreg [dreg:$0x1]  }
0x3: {  	s1 =	rddreg [dreg:$0x2]  }
0x4: {  	s0 =	rddreg [dreg:$0x3];
	s2 =	simm.s32 $0x0  }
0x5: {  	s5 =	srdreg.scid;
	s3 =	stileid.u32;
	s18 =	simm.s32 $0x10000  }
0x6: {  	s19 =	simm.s32 $0x50;
	s20 =	simm.s32 $0x1;
	s21 =	simm.s32 $0x0  }
0x7: {  	[smem:$0x7FF] =	sst s2;
	s4 =	sadd.s32 $0x3000, s6;
	s11 =	smul.u32 $0xA400, s3  }
0x8: {  	s7 =	sand.u32 $0x1, s5;
	s10 =	sshll.u32 s3, $0xC;
	s14 =	smul.u32 $0x29000, s3  }
0x9: {  	s5 =	sadd.s32 $0x4E5000, s6;
	s30 =	sshll.u32 s3, $0x6;
	s31 =	smul.u32 $0x4E200, s3  }
0xa: {  	_ =	strace $0x8000004A;
	s9 =	sshll.u32 s7, $0x10;
	s28 =	smul.u32 $0xA4000, s7  }
0xb: {  	s7 =	ssub.s32 $0x2, s7;
	s9 =	sor.u32 s10, s9;
	s13 =	sshrl.u32 s11, $0x3  }
0xc: {  	s29 =	sshrl.u32 s7, $0x1;
	s14 =	sshrl.u32 s14, $0x2;
	s12 =	sadd.s32 s9, s6  }
0xd: {  	s13 =	sadd.s32 s13, s6;
	s10 =	sadd.s32 s11, s28;
	s16 =	ssub.s32 s7, s29  }
0xe: {  	s17 =	sadd.s32 s14, s1;
	s7 =	sor.u32 $0x1C03, s30;
	s8 =	sadd.s32 s8, s9  }
0xf: {  	s11 =	sadd.s32 s4, s31;
	s10 =	sshrl.u32 s10, $0x3;
	s9 =	sadd.s32 $0x9E7000, s12  }
0x10: {  	s12 =	sadd.s32 s5, s31;
	s14 =	smax.u32 s16, $0x1;
	s16 =	simm.s32 $0x3  }
0x11: {  	s15 =	sadd.s32 s10, s6;
	s6 =	sadd.s32 $0x9C7000, s13;
	s10 =	smul.u32 $0x4E20, s3  }
0x12: {  	s13 =	sadd.s32 $0xA07000, s15;
	s15 =	sshrl.u32 s17, $0x3;
	s17 =	simm.s32 $0x8000  }
.LBB2_1:
0x13: {  	[spmem:s15], [sflag:s7] =	dma.local [hbm:s6], $0x1480  }
0x14: {  	_ =	swait.ge [sflag:s16], $0x1480  }
0x15: {  	[sflag:s16] =	ssyncset.done $0x0  }
0x16: {  	[sflag:s16] =	ssyncadd.s32 $0xFFFFEB80  }
0x17: {  	[tilespmem:s2], [sflag:$0x3] =	stream.linear.gather [hbm4b:s8+s2], $0x7D00, $0x38;
	[tilespmem:$0x1F400] =	vst v63  }
0x18: {  	_ =	swait.ge [sflag:s16], $0x7D00  }
0x19: {  	s22 =	simm.s32 $0x0;
	[sflag:s16] =	ssyncset.done $0x0  }
0x1a: {  	s23 =	smin.u32 s20, $0xF9;
	s22 =	sand.u32 $0x1, s22;
	[sflag:s16] =	ssyncadd.s32 $0xFFFF8300  }
0x1b: {  	[tilespmem:s17], [sflag:$0x3] =	stream.linear.gather [hbm4b:s9+s2], $0x7D00, $0x38;
	[tilespmem:$0x1F400] =	vst v63  }
0x1c: {  	s23 =	smul.u32 $0x50, s23;
	s24 =	sxor.u32 $0x1, s22;
	_ =	swait.ge [sflag:s16], $0x7D00  }
0x1d: {  	s26 =	sadd.s32 $0x1, s22;
	s25 =	smul.u32 $0xA000, s24;
	[sflag:s16] =	ssyncset.done $0x0  }
0x1e: {  	s22 =	smul.u32 $0xA000, s22;
	s23 =	sadd.s32 s10, s23;
	[sflag:s16] =	ssyncadd.s32 $0xFFFF8300  }
0x1f: {  	s23 =	sshll.u32 s23, $0x4;
	s25 =	sshrl.u32 s25, $0x2;
	[bflag:$0x0] =	sbarrier.arrive $0xFFFF  }
0x20: {  	[tilespmem:s18], [sflag:$0x1] =	stream.linear.gather [hbm4b:s11+s2], $0x2800, $0x38;
	[tilespmem:$0x1F400] =	vst v63  }
0x21: {  	s24 =	sadd.s32 $0x1, s24;
	s23 =	sadd.s32 s4, s23;
	s25 =	sor.u32 $0x10000, s25  }
0x22: {  	[tilespmem:s25], [sflag:s24] =	stream.linear.gather [hbm4b:s23+s2], $0x2800, $0x38;
	[tilespmem:$0x1F400] =	vst v63  }
0x23: {  	_ =	swait.ge [sflag:s26], $0x2800  }
0x24: {  	s30 =	simm.s32 $0x2;
	s22 =	sshrl.u32 s22, $0x2;
	[sflag:s26] =	ssyncset.done $0x0  }
0x25: {  	s31 =	simm.s32 $0x1;
	s22 =	sor.u32 $0x10000, s22;
	[sflag:s26] =	ssyncadd.s32 $0xFFFFD800  }
0x26: {  	[spmem:s1] =	stream.indirect.scatter.add.f32 [tilespmem:s22], [sflag:$0x3], $0x80, s2, s19, $0xb8;
	[tilespmem:$0x1F400] =	vst v63  }
0x27: {  	s23 =	simm.s32 $0x3;
	s24 =	sand.u32 $0x1, s31;
	_ =	swait.ge [sflag:s16], $0x2800  }
0x28: {  	s25 =	smin.u32 s30, $0xF9;
	s22 =	simm.s32 $0x80;
	[sflag:s16] =	ssyncset.done $0x0  }
.LBB2_2:
0x29: {  	s26 =	sxor.u32 $0x1, s24  }
0x2a: {  	s25 =	smul.u32 $0x50, s25;
	[sflag:s16] =	ssyncadd.s32 $0xFFFFD800;
	s28 =	smov.u32 s23  }
0x2b: {  	p0 =	sne.s32 s23, $0xFA;
	s23 =	sadd.s32 $0x1, s23;
	s29 =	smul.u32 $0xA000, s26  }
0x2c: {  	s30 =	sadd.s32 $0x1, s24;
	s25 =	sadd.s32 s10, s25  }
0x2d: {  	s24 =	smul.u32 $0xA000, s24;
	s29 =	sshrl.u32 s29, $0x2;
	s25 =	sshll.u32 s25, $0x4  }
0x2e: {  	s26 =	sadd.s32 $0x1, s26;
	s29 =	sor.u32 $0x10000, s29;
	s25 =	sadd.s32 s4, s25  }
0x2f: {  	[tilespmem:s29], [sflag:s26] =	stream.linear.gather [hbm4b:s25+s2], $0x2800, $0x38;
	[tilespmem:$0x1F400] =	vst v63  }
0x30: {  	_ =	swait.ge [sflag:s30], $0x2800  }
.Ltmp0:
0x31: {  	s24 =	sshrl.u32 s24, $0x2;
	[sflag:s30] =	ssyncset.done $0x0;
	(pc) =	sbr.rel @p0 .LBB2_2-.Ltmp0, $4  }
0x32: {  	s24 =	sor.u32 $0x10000, s24;
	[sflag:s30] =	ssyncadd.s32 $0xFFFFD800  }
0x33: {  	[spmem:s1] =	stream.indirect.scatter.add.f32 [tilespmem:s24], [sflag:$0x3], $0x80, s22, s19, $0xb8;
	[tilespmem:$0x1F400] =	vst v63  }
0x34: {  	s24 =	sadd.s32 $0xFFFFFFFF, s28;
	s22 =	sadd.s32 $0x80, s22;
	_ =	swait.ge [sflag:s16], $0x2800  }
0x35: {  	s25 =	smin.u32 s28, $0xF9;
	s24 =	sand.u32 $0x1, s24;
	[sflag:s16] =	ssyncset.done $0x0  }
0x36: {  	s23 =	sxor.u32 $0x1, s24;
	s25 =	smul.u32 $0x50, s25  }
0x37: {  	s26 =	smul.u32 $0xA000, s23  }
0x38: {  	[sflag:s16] =	ssyncadd.s32 $0xFFFFD800;
	s28 =	sadd.s32 $0x1, s24;
	s25 =	sadd.s32 s10, s25  }
0x39: {  	s31 =	smul.u32 $0xA000, s24;
	s26 =	sshrl.u32 s26, $0x2;
	s25 =	sshll.u32 s25, $0x4  }
0x3a: {  	s23 =	sadd.s32 $0x1, s23;
	s26 =	sor.u32 $0x10000, s26;
	s25 =	sadd.s32 s4, s25  }
0x3b: {  	[tilespmem:s26], [sflag:s23] =	stream.linear.gather [hbm4b:s25+s2], $0x2800, $0x38;
	[tilespmem:$0x1F400] =	vst v63  }
0x3c: {  	_ =	swait.ge [sflag:s28], $0x2800  }
0x3d: {  	s25 =	sshrl.u32 s31, $0x2;
	[sflag:s28] =	ssyncset.done $0x0  }
0x3e: {  	s23 =	sor.u32 $0x10000, s25;
	[sflag:s28] =	ssyncadd.s32 $0xFFFFD800  }
0x3f: {  	[spmem:s1] =	stream.indirect.scatter.add.f32 [tilespmem:s23], [sflag:$0x3], $0x80, s22, s19, $0xb8;
	[tilespmem:$0x1F400] =	vst v63  }
0x40: {  	s26 =	simm.s32 $0x1;
	s28 =	simm.s32 $0x0;
	_ =	swait.ge [sflag:s16], $0x2800  }
0x41: {  	s23 =	sand.u32 $0x1, s28;
	s22 =	smin.u32 s26, $0xF9;
	[sflag:s16] =	ssyncset.done $0x0  }
0x42: {  	s29 =	sxor.u32 $0x1, s23;
	s22 =	smul.u32 $0x50, s22;
	[sflag:s16] =	ssyncadd.s32 $0xFFFFD800  }
0x43: {  	s31 =	sadd.s32 $0x1, s23;
	s30 =	smul.u32 $0xA000, s29;
	_ =	swait.ge [sflag:s26], $0x2800  }
0x44: {  	s23 =	smul.u32 $0xA000, s23;
	s22 =	sadd.s32 s10, s22;
	[sflag:s26] =	ssyncset.done $0x0  }
0x45: {  	s25 =	sshrl.u32 s30, $0x2;
	s22 =	sshll.u32 s22, $0x4;
	[sflag:s26] =	ssyncadd.s32 $0xFFFFD800  }
0x46: {  	[tilespmem:s18], [sflag:$0x1] =	stream.linear.gather [hbm4b:s12+s2], $0x2800, $0x38;
	[tilespmem:$0x1F400] =	vst v63  }
0x47: {  	s24 =	sadd.s32 $0x1, s29;
	s25 =	sor.u32 $0x10000, s25;
	s22 =	sadd.s32 s5, s22  }
0x48: {  	[tilespmem:s25], [sflag:s24] =	stream.linear.gather [hbm4b:s22+s2], $0x2800, $0x38;
	[tilespmem:$0x1F400] =	vst v63  }
0x49: {  	s28 =	simm.s32 $0x8000;
	_ =	swait.ge [sflag:s31], $0x2800  }
0x4a: {  	s29 =	simm.s32 $0x2;
	s30 =	sshrl.u32 s23, $0x2;
	[sflag:s31] =	ssyncset.done $0x0  }
0x4b: {  	s23 =	simm.s32 $0x3;
	s24 =	sor.u32 $0x10000, s30;
	[sflag:s31] =	ssyncadd.s32 $0xFFFFD800  }
0x4c: {  	[spmem:s1] =	stream.indirect.scatter.add.f32 [tilespmem:s24], [sflag:$0x3], $0x80, s28, s19, $0xb8;
	[tilespmem:$0x1F400] =	vst v63  }
0x4d: {  	s22 =	simm.s32 $0x8080;
	s31 =	simm.s32 $0x1;
	_ =	swait.ge [sflag:s16], $0x2800  }
0x4e: {  	s25 =	smin.u32 s29, $0xF9;
	s24 =	sand.u32 $0x1, s31;
	[sflag:s16] =	ssyncset.done $0x0  }
.LBB2_4:
0x4f: {  	s26 =	sxor.u32 $0x1, s24  }
0x50: {  	s25 =	smul.u32 $0x50, s25;
	[sflag:s16] =	ssyncadd.s32 $0xFFFFD800;
	s28 =	smov.u32 s23  }
0x51: {  	p0 =	sne.s32 s23, $0xFA;
	s23 =	sadd.s32 $0x1, s23;
	s29 =	smul.u32 $0xA000, s26  }
0x52: {  	s30 =	sadd.s32 $0x1, s24;
	s25 =	sadd.s32 s10, s25  }
0x53: {  	s24 =	smul.u32 $0xA000, s24;
	s29 =	sshrl.u32 s29, $0x2;
	s25 =	sshll.u32 s25, $0x4  }
0x54: {  	s26 =	sadd.s32 $0x1, s26;
	s29 =	sor.u32 $0x10000, s29;
	s25 =	sadd.s32 s5, s25  }
0x55: {  	[tilespmem:s29], [sflag:s26] =	stream.linear.gather [hbm4b:s25+s2], $0x2800, $0x38;
	[tilespmem:$0x1F400] =	vst v63  }
0x56: {  	_ =	swait.ge [sflag:s30], $0x2800  }
.Ltmp1:
0x57: {  	s24 =	sshrl.u32 s24, $0x2;
	[sflag:s30] =	ssyncset.done $0x0;
	(pc) =	sbr.rel @p0 .LBB2_4-.Ltmp1, $4  }
0x58: {  	s24 =	sor.u32 $0x10000, s24;
	[sflag:s30] =	ssyncadd.s32 $0xFFFFD800  }
0x59: {  	[spmem:s1] =	stream.indirect.scatter.add.f32 [tilespmem:s24], [sflag:$0x3], $0x80, s22, s19, $0xb8;
	[tilespmem:$0x1F400] =	vst v63  }
0x5a: {  	s24 =	sadd.s32 $0xFFFFFFFF, s28;
	s22 =	sadd.s32 $0x80, s22;
	_ =	swait.ge [sflag:s16], $0x2800  }
0x5b: {  	s25 =	smin.u32 s28, $0xF9;
	s24 =	sand.u32 $0x1, s24;
	[sflag:s16] =	ssyncset.done $0x0  }
0x5c: {  	s23 =	sxor.u32 $0x1, s24;
	s25 =	smul.u32 $0x50, s25  }
0x5d: {  	s26 =	smul.u32 $0xA000, s23  }
0x5e: {  	[sflag:s16] =	ssyncadd.s32 $0xFFFFD800;
	s28 =	sadd.s32 $0x1, s24;
	s25 =	sadd.s32 s10, s25  }
0x5f: {  	s30 =	smul.u32 $0xA000, s24;
	s26 =	sshrl.u32 s26, $0x2;
	s25 =	sshll.u32 s25, $0x4  }
0x60: {  	s23 =	sadd.s32 $0x1, s23;
	s26 =	sor.u32 $0x10000, s26;
	s25 =	sadd.s32 s5, s25  }
0x61: {  	[tilespmem:s26], [sflag:s23] =	stream.linear.gather [hbm4b:s25+s2], $0x2800, $0x38;
	[tilespmem:$0x1F400] =	vst v63  }
0x62: {  	_ =	swait.ge [sflag:s28], $0x2800  }
0x63: {  	s31 =	sshrl.u32 s30, $0x2;
	[sflag:s28] =	ssyncset.done $0x0  }
0x64: {  	s23 =	sor.u32 $0x10000, s31;
	[sflag:s28] =	ssyncadd.s32 $0xFFFFD800  }
0x65: {  	[spmem:s1] =	stream.indirect.scatter.add.f32 [tilespmem:s23], [sflag:$0x3], $0x80, s22, s19, $0xb8;
	[tilespmem:$0x1F400] =	vst v63  }
0x66: {  	_ =	swait.ge [sflag:s16], $0x2800  }
0x67: {  	[sflag:s16] =	ssyncset.done $0x0  }
0x68: {  	[sflag:s16] =	ssyncadd.s32 $0xFFFFD800  }
0x69: {  	_ =	swait.ge [sflag:s20], $0x2800  }
0x6a: {  	s21 =	sadd.s32 $0x1, s21;
	[sflag:s20] =	ssyncset.done $0x0  }
0x6b: {  	p0 =	sne.s32 s21, s14;
	[sflag:s20] =	ssyncadd.s32 $0xFFFFD800  }
.Ltmp2:
0x6c: {  	[bflag:$0x0] =	sbarrier.arrive $0xFFFF;
	(pc) =	sbr.rel @p0 .LBB2_1-.Ltmp2, $4  }
0x6d: {  	[hbm:s13], [sflag:s7] =	dma.local [spmem:s15], $0x1480  }
0x6e: {  	_ =	swait.ge [sflag:s16], $0x1480  }
0x6f: {  	[sflag:s16] =	ssyncset.done $0x0  }
0x70: {  	[sflag:s16] =	ssyncadd.s32 $0xFFFFEB80  }
0x71: {  	_ =	sfence.sel $0x180000  }
0x72: {  	[bflag:$0x0] =	sbarrier.arrive $0xFFFF  }
0x73: {  	p0 =	sne.s32 s3, $0x0;
	_ =	strace $0x9000004A  }
0x74: {  	s0 =	sadd.s32 @!p0 $0x100000, s0;
	[bflag:$0x2] =	sbarrier.arrive $0xFFFF  }
0x75: {  	[sflag:s0] =	ssyncadd.tile.s32 @!p0 $0x1;
	_ =	shalt  }
.Lfunc_end2:
_tile_overlayer_lowered:
.L_overlay_start_2:
0x76: {  	(tag) =	ssettag $0x2  }
0x77: {  	s0 =	rddreg [dreg:$0x0];
	s2 =	stileid.u32  }
0x78: {  	s1 =	rddreg [dreg:$0x1];
	p0 =	sne.s32 s2, $0x0  }
0x79: {  	s3 =	rddreg [dreg:$0x2];
	[bflag:$0x3] =	sbarrier.arrive $0xFFFF;
	s2 =	simm.s32 @!p0 $0x1C03  }
0x7a: {  	[timem:s3], [sflag:s2] =	dma.local @!p0 [hbm:s0], s1  }
0x7b: {  	s0 =	simm.s32 @!p0 $0x3  }
0x7c: {  	_ =	swait.ge @!p0 [sflag:s0], s1  }
0x7d: {  	s1 =	ssub.s32 @!p0 $0x0, s1;
	[sflag:s0] =	ssyncset.done @!p0 $0x0  }
0x7e: {  	[sflag:s0] =	ssyncadd.s32 @!p0 s1  }
0x7f: {  	[bflag:$0x3] =	sbarrier.arrive $0xFFFF  }
0x80: {  	_ =	shalt  }

// kernel: kernel.8.cloned.1.call-start
scs
__scs_entry_jumppad:
0x0: {  	(pc) =	sbr.rel $0x88, $3  }
0x1: {  	(tag) =	ssettag $0x0;
	lr =	simm.s32 $0x1  }
0x2: {  	[smem:$0x3F96] =	sst lr;
	_ =	strace $0xD0000000  }
0x3: {  	_ = 	snop  }
0x4: {  	_ = 	snop  }
0x5: {  	_ = 	snop  }
0x6: {  	_ = 	snop  }
0x7: {  	_ = 	snop  }
__scs_overlays_trampoline_lowered:
0x8: {  	[smem:$0x3FA5] =	sst s0  }
0x9: {  	[smem:$0x3FA6] =	sst s1  }
0xa: {  	[smem:$0x3FA7] =	sst s2  }
0xb: {  	[smem:$0x3FA8] =	sst s3  }
0xc: {  	[smem:$0x3FA9] =	sst s4  }
0xd: {  	[smem:$0x3FAA] =	sst s5  }
0xe: {  	[smem:$0x3FAB] =	sst s6  }
0xf: {  	[smem:$0x3FAC] =	sst s7  }
0x10: {  	[smem:$0x3FAD] =	sst s8  }
0x11: {  	[smem:$0x3FAE] =	sst s9;
	s0 =	simm.s32 @!p0 $0x0  }
0x12: {  	s1 =	sld [smem:$0x3F94];
	s0 =	simm.s32 @p0 $0x1  }
0x13: {  	[smem:$0x3FAF] =	sst s0;
	s0 =	simm.s32 @!p1 $0x0  }
0x14: {  	s2 =	sld [smem:$0x3F93];
	s0 =	simm.s32 @p1 $0x1  }
0x15: {  	[smem:$0x3FB0] =	sst s0;
	s0 =	simm.s32 @!p2 $0x0  }
0x16: {  	s3 =	sld [smem:$0x3FDB];
	s0 =	simm.s32 @p2 $0x1  }
0x17: {  	s4 =	simm.s32 $0x1BF5;
	[smem:$0x3FB2] =	sst s0  }
0x18: {  	s0 =	sld [smem:$0x3F95];
	_ =	swait.ge [sflag:s4], $0x0  }
0x19: {  	s7 =	sld [smem:$0x3F96]  }
0x1a: {  	s8 =	sadd.s32 $0xFFFFE003, lr  }
0x1b: {  	s9 =	sadd.s32 $0xFFFFFEF7, lr;
	s5 =	simm.s32 $0xFFFFFFFF;
	p2 =	slt.u32 s8, $0xFFFFF086  }
0x1c: {  	p1 =	slt.u32 s9, $0xF7A;
	s5 =	simm.s32 @!p2 $0x0  }
0x1d: {  	s5 =	simm.s32 @p1 $0x1;
	p0 =	seq.s32 s7, s2  }
0x1e: {  	s7 =	smul.u32 @!p0 $0xF7A, s2;
	p2 =	seq.s32 @!p0 s5, $0x0  }
0x1f: {  	s9 =	smul.u32 $0xF7A, s1;
	s8 =	simm.s32 @!p0 $0x1BF5;
	p2 =	por !p2, p0  }
0x20: {  	[sflag:s8] =	ssyncset.s32 @!p0 $0xFFFFF086;
	s6 =	sadd.s32 @!p0 s3, s7;
	s7 =	simm.s32 @!p0 $0x108  }
0x21: {  	s3 =	sadd.s32 s3, s9;
	s6 =	sadd.s32 @!p0 $0x88, s6;
	s7 =	simm.s32 @p2 $0x1082  }
0x22: {  	[simem:s7], [sflag:s8] =	dma.local @!p0 [hbm:s6], $0xF7A  }
0x23: {  	s9 =	sor.u32 $0xD0000000, s2;
	s6 =	simm.s32 $0x108;
	_ =	swait.ge @!p0 [sflag:s8], $0x0  }
0x24: {  	s3 =	sadd.s32 $0x88, s3;
	s6 =	simm.s32 @!p1 $0x1082;
	[sflag:s4] =	ssyncset.s32 $0xFFFFF086  }
0x25: {  	[simem:s6], [sflag:s4] =	dma.local [hbm:s3], $0xF7A  }
0x26: {  	[smem:$0x3F96] =	sst s1;
	(tag) =	ssettag s2;
	_ =	strace s9  }
0x27: {  	s1 =	sld [smem:$0x3FA6]  }
0x28: {  	s2 =	sld [smem:$0x3FA7]  }
0x29: {  	s4 =	sld [smem:$0x3FA9]  }
0x2a: {  	p0 =	seq.s32 s5, $0x0;
	s5 =	sld [smem:$0x3FAA]  }
0x2b: {  	s6 =	sld [smem:$0x3FAB]  }
0x2c: {  	s7 =	sld [smem:$0x3FAC]  }
0x2d: {  	s3 =	simm.s32 $0x108;
	s8 =	sld [smem:$0x3FAD]  }
0x2e: {  	s3 =	simm.s32 @!p0 $0x1082;
	s9 =	sld [smem:$0x3FAE]  }
0x2f: {  	lr =	sadd.s32 s0, s3;
	s0 =	sld [smem:$0x3FA5]  }
0x30: {  	s3 =	sld [smem:$0x3FA8]  }
0x31: {  	[smem:$0x3FB1] =	sst s10  }
0x32: {  	s10 =	sld [smem:$0x3FAF];
	_ =	sdelay $0x3  }
0x33: {  	p0 =	seq.s32 s10, $0x1;
	s10 =	sld [smem:$0x3FB1];
	_ =	sdelay $0x3  }
0x34: {  	[smem:$0x3FB1] =	sst s10  }
0x35: {  	s10 =	sld [smem:$0x3FB0];
	_ =	sdelay $0x3  }
0x36: {  	p1 =	seq.s32 s10, $0x1;
	s10 =	sld [smem:$0x3FB1];
	_ =	sdelay $0x3  }
0x37: {  	[smem:$0x3FB1] =	sst s10  }
0x38: {  	s10 =	sld [smem:$0x3FB2]  }
0x39: {  	_ = 	snop;
	(pc) =	sbr.ind lr, $3  }
0x3a: {  	_ = 	snop  }
0x3b: {  	_ = 	snop  }
0x3c: {  	p2 =	seq.s32 s10, $0x1;
	s10 =	sld [smem:$0x3FB1]  }
0x3d: {  	_ =	shalt  }
0x3e: {  	_ =	shalt  }
0x3f: {  	_ =	shalt  }
0x40: {  	_ =	shalt  }
0x41: {  	_ =	shalt  }
0x42: {  	_ =	shalt  }
0x43: {  	_ =	shalt  }
0x44: {  	_ =	shalt  }
0x45: {  	_ =	shalt  }
0x46: {  	_ =	shalt  }
0x47: {  	_ =	shalt  }
0x48: {  	_ =	shalt  }
0x49: {  	_ =	shalt  }
0x4a: {  	_ =	shalt  }
0x4b: {  	_ =	shalt  }
0x4c: {  	_ =	shalt  }
0x4d: {  	_ =	shalt  }
0x4e: {  	_ =	shalt  }
0x4f: {  	_ =	shalt  }
0x50: {  	_ =	shalt  }
0x51: {  	_ =	shalt  }
0x52: {  	_ =	shalt  }
0x53: {  	_ =	shalt  }
0x54: {  	_ =	shalt  }
0x55: {  	_ =	shalt  }
0x56: {  	_ =	shalt  }
0x57: {  	_ =	shalt  }
0x58: {  	_ =	shalt  }
0x59: {  	_ =	shalt  }
0x5a: {  	_ =	shalt  }
0x5b: {  	_ =	shalt  }
0x5c: {  	_ =	shalt  }
0x5d: {  	_ =	shalt  }
0x5e: {  	_ =	shalt  }
0x5f: {  	_ =	shalt  }
0x60: {  	_ =	shalt  }
0x61: {  	_ =	shalt  }
0x62: {  	_ =	shalt  }
0x63: {  	_ =	shalt  }
0x64: {  	_ =	shalt  }
0x65: {  	_ =	shalt  }
0x66: {  	_ =	shalt  }
0x67: {  	_ =	shalt  }
0x68: {  	_ =	shalt  }
0x69: {  	_ =	shalt  }
0x6a: {  	_ =	shalt  }
0x6b: {  	_ =	shalt  }
0x6c: {  	_ =	shalt  }
0x6d: {  	_ =	shalt  }
0x6e: {  	_ =	shalt  }
0x6f: {  	_ =	shalt  }
0x70: {  	_ =	shalt  }
0x71: {  	_ =	shalt  }
0x72: {  	_ =	shalt  }
0x73: {  	_ =	shalt  }
0x74: {  	_ =	shalt  }
0x75: {  	_ =	shalt  }
0x76: {  	_ =	shalt  }
0x77: {  	_ =	shalt  }
0x78: {  	_ =	shalt  }
0x79: {  	_ =	shalt  }
0x7a: {  	_ =	shalt  }
0x7b: {  	_ =	shalt  }
0x7c: {  	_ =	shalt  }
0x7d: {  	_ =	shalt  }
0x7e: {  	_ =	shalt  }
0x7f: {  	_ =	shalt  }
0x80: {  	_ =	shalt  }
0x81: {  	_ =	shalt  }
0x82: {  	_ =	shalt  }
0x83: {  	_ =	shalt  }
0x84: {  	_ =	shalt  }
0x85: {  	_ =	shalt  }
0x86: {  	_ =	shalt  }
0x87: {  	_ =	shalt  }
.Lfunc_end0:
.L_simem_size_0:
called_computation_lowered:
.L_overlay_start_0:
0x88: {  	s2 =	sld [smem:$0x3FD9]  }
0x89: {  	s3 =	sld [smem:$0x3FFE];
	_ =	sdelay $0x1  }
0x8a: {  	s1 =	srdreg.scid  }
0x8b: {  	s0 =	sand.u32 $0x1, s1  }
0x8c: {  	s17 =	sshll.u32 s0, $0xA;
	s2 =	sadd.s32 s3, s2  }
0x8d: {  	s2 =	sadd.s32 s2, s17  }
0x8e: {  	[smem:$0x3FBD] =	sst s2  }
0x8f: {  	_ = 	snop  }
0x90: {  	s2 =	sld [smem:$0x3FC9];
	(tm) =	ssettm $0x1  }
0x91: {  	s18 =	sld [smem:$0x3FFB];
	_ =	sdelay $0x3  }
0x92: {  	_ =	strace s18  }
0x93: {  	s3 =	sld [smem:$0x3FFC];
	_ =	sdelay $0x3  }
0x94: {  	_ =	strace s3  }
0x95: {  	s3 =	sld [smem:$0x3FFD];
	_ =	sdelay $0x3  }
0x96: {  	_ =	strace s3  }
0x97: {  	_ =	strace $0x8FFFFFFF  }
0x98: {  	s19 =	sld [smem:$0x3FDB];
	_ =	sdelay $0x1  }
0x99: {  	s4 =	simm.s32 $_scs_section_size  }
0x9a: {  	s5 =	simm.s32 $_size__tile_overlayer_lowered;
	s6 =	simm.s32 $_tile_overlayer_lowered  }
0x9b: {  	s22 =	simm.s32 $0x1BFF;
	s21 =	sshll.u32 s6, $0x1;
	s3 =	sadd.s32 s4, s19  }
0x9c: {  	s7 =	simm.s32 $0x0;
	s20 =	sshll.u32 s5, $0x1;
	s5 =	sadd.s32 s21, s3  }
0x9d: {  	[timem:s7], [sflag:s22] =	dma.local [hbm:s5], s20  }
0x9e: {  	_ =	swait.ge [sflag:s22], s20  }
0x9f: {  	s4 =	ssub.s32 $0x0, s20;
	[sflag:s22] =	ssyncset.done $0x0  }
0xa0: {  	[sflag:s22] =	ssyncadd.s32 s4;
	_ =	sdelay $0x1  }
0xa1: {  	s23 =	simm.s32 $0x1B8B  }
0xa2: {  	_ =	swait.ge [sflag:s23], $0x1  }
0xa3: {  	[sflag:s23] =	ssyncset.done $0x0  }
0xa4: {  	s25 =	simm.s32 $0x1B8E;
	s24 =	sld [smem:$0x3FFE];
	[sflag:s23] =	ssyncadd.s32 $0xFFFFFFFF  }
0xa5: {  	s26 =	simm.s32 $execute0_lowered;
	[smem:$0x3FD2] =	sst s25  }
0xa6: {  	s5 =	sshll.u32 s26, $0x1;
	_ =	strace $0x80000046;
	[dreg:$0x1] =	wrdreg $0xFFFFFFFF  }
0xa7: {  	s28 =	simm.s32 $_size_execute0_lowered;
	s3 =	sadd.s32 s3, s5;
	[dreg:$0x0] =	wrdreg $0x0  }
0xa8: {  	s5 =	sshll.u32 s28, $0x1;
	[dreg:$0x2] =	wrdreg s3  }
0xa9: {  	[dreg:$0x3] =	wrdreg s5  }
0xaa: {  	[dreg:$0x4] =	wrdreg $0xC0  }
0xab: {  	_ =	task [dreg:s7], $0x5FFFF  }
0xac: {  	[dreg:$0x1] =	wrdreg $0xFFFFFFFF  }
0xad: {  	[dreg:$0x0] =	wrdreg $0x60  }
0xae: {  	[dreg:$0x2] =	wrdreg s2  }
0xaf: {  	[dreg:$0x3] =	wrdreg s24  }
0xb0: {  	[dreg:$0x4] =	wrdreg $0x9  }
0xb1: {  	_ =	task.clear_ibuf [dreg:s7], $0x5FFFF;
	_ =	strace $0x90000046  }
0xb2: {  	s29 =	simm.s32 $0x9;
	_ =	strace $0x80000048  }
0xb3: {  	_ =	swait.ge [sflag:s29], $0x1  }
0xb4: {  	[sflag:s29] =	ssyncadd.s32 $0xFFFFFFFF  }
0xb5: {  	_ =	strace $0x90000048  }
0xb6: {  	_ =	sfence  }
0xb7: {  	s30 =	sld [smem:$0x0];
	_ =	sdelay $0x2  }
0xb8: {  	s31 =	sshll.u32 s1, $0xD;
	s1 =	sshrl.u32 s1, $0x2  }
0xb9: {  	s3 =	sand.u32 $0x4000, s31;
	s1 =	sadd.s32 s1, s30  }
0xba: {  	s0 =	sor.u32 s3, s0;
	s1 =	sshll.u32 s1, $0x11  }
0xbb: {  	s0 =	sor.u32 s1, s0  }
0xbc: {  	s0 =	sadd.s32 $0x8F2B, s0  }
0xbd: {  	[sflag:s0] =	ssyncadd.remote.s32 $0x1  }
0xbe: {  	_ =	sfence.sel $0xFFFF  }
0xbf: {  	[dreg:$0x0] =	wrdreg $0xFFFFFFFF;
	(pc) =	sbr.abs _section_cstart, $3  }
0xc0: {  	[dreg:$0x1] =	wrdreg $0xFFFFFFFF  }
0xc1: {  	_ =	task.clear_ibuf [dreg:s7], $0x2FFFF;
	_ =	strace $0x9FFFFFFF  }
0xc2: {  	(tm) =	ssettm $0x7FFFFFFF  }
0xc3: {  	_ =	shalt  }
tec
execute0_lowered:
.L_overlay_start_1:
0x0: {  	(tag) =	ssettag $0x1  }
0x1: {  	s1 =	rddreg [dreg:$0x0]  }
0x2: {  	s4 =	rddreg [dreg:$0x1]  }
0x3: {  	s0 =	rddreg [dreg:$0x2]  }
0x4: {  	s3 =	simm.s32 $0x0;
	s5 =	srdreg.scid;
	s2 =	stileid.u32  }
0x5: {  	s9 =	simm.s32 $0x5;
	s10 =	simm.s32 $0x4000;
	s11 =	simm.s32 $0x50  }
0x6: {  	s12 =	simm.s32 $0x8000;
	s13 =	simm.s32 $0xD000;
	s14 =	simm.s32 $0x2  }
0x7: {  	s15 =	simm.s32 $0x4;
	s16 =	simm.s32 $0x0;
	[smem:$0x7FF] =	sst s3  }
0x8: {  	s5 =	sand.u32 $0x1, s5;
	s6 =	sshll.u32 s2, $0xC;
	s8 =	smul.u32 $0x4E200, s2  }
0x9: {  	_ =	strace $0x80000047;
	s7 =	sshll.u32 s5, $0xB;
	s30 =	ssub.s32 $0x2, s5  }
0xa: {  	s5 =	smul.u32 $0x27100, s5;
	s6 =	sor.u32 s7, s6;
	s31 =	sshrl.u32 s30, $0x1  }
0xb: {  	s8 =	sadd.s32 s8, s4;
	s6 =	sadd.s32 s6, s4;
	s7 =	ssub.s32 s30, s31  }
0xc: {  	s8 =	sadd.s32 s5, s8;
	s4 =	sadd.s32 $0x3000, s6;
	s5 =	sadd.s32 $0x13000, s6  }
0xd: {  	s6 =	smax.u32 s7, $0x1;
	s7 =	sadd.s32 $0x23000, s8;
	s8 =	sadd.s32 $0x505000, s8  }
.LBB2_1:
0xe: {  	[tilespmem:s3], [sflag:$0x5] =	stream.linear.gather [hbm4b:s4+s3], $0x3E80, $0x38;
	[tilespmem:$0x12000] =	vst v63  }
0xf: {  	_ =	swait.ge [sflag:s9], $0x3E80  }
0x10: {  	[sflag:s9] =	ssyncset.done $0x0  }
0x11: {  	[sflag:s9] =	ssyncadd.s32 $0xFFFFC180  }
0x12: {  	[tilespmem:s10], [sflag:$0x5] =	stream.linear.gather [hbm4b:s5+s3], $0x3E80, $0x38;
	[tilespmem:$0x12000] =	vst v63  }
0x13: {  	s17 =	simm.s32 $0x0;
	_ =	swait.ge [sflag:s9], $0x3E80  }
0x14: {  	s17 =	sand.u32 $0x1, s17;
	[sflag:s9] =	ssyncset.done $0x0  }
0x15: {  	s20 =	simm.s32 $0x1;
	s18 =	sxor.u32 $0x1, s17;
	[sflag:s9] =	ssyncadd.s32 $0xFFFFC180  }
0x16: {  	[tilespmem:s12], [sflag:$0x1] =	stream.indirect.gather [hbm4b:s1+s11], $0x80, s3, s11, $0xb8;
	[tilespmem:$0x12000] =	vst v63  }
0x17: {  	s20 =	smin.u32 s20, $0x7C;
	s22 =	sadd.s32 $0x1, s17;
	s19 =	smul.u32 $0x2800, s18  }
0x18: {  	[tilespmem:s13], [sflag:$0x3] =	stream.indirect.gather [hbm4b:s1+s11], $0x80, s10, s11, $0xb8;
	[tilespmem:$0x12000] =	vst v63  }
0x19: {  	s20 =	sshll.u32 s20, $0x7;
	s23 =	sadd.s32 $0x1, s18;
	s21 =	sor.u32 $0x8000, s19  }
0x1a: {  	[tilespmem:s21], [sflag:s23] =	stream.indirect.gather [hbm4b:s1+s11], $0x80, s20, s11, $0xb8;
	[tilespmem:$0x12000] =	vst v63  }
0x1b: {  	s18 =	sadd.s32 $0x3, s18;
	s19 =	sadd.s32 $0xD000, s19;
	s20 =	sor.u32 $0x4000, s20  }
0x1c: {  	[tilespmem:s19], [sflag:s18] =	stream.indirect.gather [hbm4b:s1+s11], $0x80, s20, s11, $0xb8;
	[tilespmem:$0x12000] =	vst v63  }
0x1d: {  	s29 =	smul.u32 $0x2800, s17;
	_ =	swait.ge [sflag:s22], $0x2800  }
0x1e: {  	[sflag:s22] =	ssyncset.done $0x0  }
0x1f: {  	s30 =	sor.u32 $0x8000, s29;
	[sflag:s22] =	ssyncadd.s32 $0xFFFFD800  }
0x20: {  	[hbm4b:s7+s3] =	stream.linear.scatter [tilespmem:s30], [sflag:$0x5], $0x2800, $0x38;
	[tilespmem:$0x12000] =	vst v63  }
0x21: {  	_ =	swait.ge [sflag:s9], $0x2800  }
0x22: {  	[sflag:s9] =	ssyncset.done $0x0  }
0x23: {  	s31 =	simm.s32 $0x1;
	s17 =	sadd.s32 $0x3, s17;
	[sflag:s9] =	ssyncadd.s32 $0xFFFFD800  }
0x24: {  	s18 =	sand.u32 $0x1, s31;
	_ =	swait.ge [sflag:s17], $0x2800  }
0x25: {  	s23 =	simm.s32 $0x3;
	s21 =	sxor.u32 $0x1, s18;
	[sflag:s17] =	ssyncset.done $0x0  }
0x26: {  	s19 =	sadd.s32 $0xD000, s29;
	s22 =	smul.u32 $0x2800, s21;
	[sflag:s17] =	ssyncadd.s32 $0xFFFFD800  }
0x27: {  	[hbm4b:s8+s3] =	stream.linear.scatter [tilespmem:s19], [sflag:$0x5], $0x2800, $0x38;
	[tilespmem:$0x12000] =	vst v63  }
0x28: {  	s20 =	simm.s32 $0x2;
	s17 =	sadd.s32 $0x500, s8;
	s19 =	sadd.s32 $0x500, s7  }
.LBB2_2:
0x29: {  	s24 =	sor.u32 $0x8000, s22;
	_ =	swait.ge [sflag:s9], $0x2800  }
0x2a: {  	s25 =	smov.u32 s23;
	s26 =	sadd.s32 $0x1, s23;
	s28 =	smov.u32 s17  }
0x2b: {  	s20 =	smin.u32 s20, $0x7C;
	s29 =	sadd.s32 $0x1, s18;
	[sflag:s9] =	ssyncset.done $0x0  }
0x2c: {  	s30 =	sadd.s32 $0x1, s21;
	s20 =	sshll.u32 s20, $0x7;
	[sflag:s9] =	ssyncadd.s32 $0xFFFFD800  }
0x2d: {  	[tilespmem:s24], [sflag:s30] =	stream.indirect.gather [hbm4b:s1+s11], $0x80, s20, s11, $0xb8;
	[tilespmem:$0x12000] =	vst v63  }
0x2e: {  	s22 =	sadd.s32 $0xD000, s22;
	s21 =	sadd.s32 $0x3, s21;
	s20 =	sor.u32 $0x4000, s20  }
0x2f: {  	[tilespmem:s22], [sflag:s21] =	stream.indirect.gather [hbm4b:s1+s11], $0x80, s20, s11, $0xb8;
	[tilespmem:$0x12000] =	vst v63  }
0x30: {  	p0 =	sne.s32 s23, $0x7D;
	s22 =	smul.u32 $0x2800, s18;
	_ =	swait.ge [sflag:s29], $0x2800  }
0x31: {  	s20 =	smov.u32 s25;
	[sflag:s29] =	ssyncset.done $0x0  }
0x32: {  	s21 =	sor.u32 $0x8000, s22;
	[sflag:s29] =	ssyncadd.s32 $0xFFFFD800  }
0x33: {  	[hbm4b:s19+s3] =	stream.linear.scatter [tilespmem:s21], [sflag:$0x5], $0x2800, $0x38;
	[tilespmem:$0x12000] =	vst v63  }
0x34: {  	_ =	swait.ge [sflag:s9], $0x2800  }
0x35: {  	s23 =	sadd.s32 $0x3, s18;
	s17 =	sadd.s32 $0x500, s17;
	[sflag:s9] =	ssyncset.done $0x0  }
.Ltmp0:
0x36: {  	s18 =	sadd.s32 $0xFFFFFFFF, s20;
	[sflag:s9] =	ssyncadd.s32 $0xFFFFD800;
	(pc) =	sbr.rel @p0 .LBB2_2-.Ltmp0, $4  }
0x37: {  	s18 =	sand.u32 $0x1, s18;
	s24 =	sadd.s32 $0xD000, s22;
	_ =	swait.ge [sflag:s23], $0x2800  }
0x38: {  	s21 =	sxor.u32 $0x1, s18;
	s19 =	sadd.s32 $0x500, s19;
	[sflag:s23] =	ssyncset.done $0x0  }
0x39: {  	s22 =	smul.u32 $0x2800, s21;
	[sflag:s23] =	ssyncadd.s32 $0xFFFFD800;
	s23 =	smov.u32 s26  }
0x3a: {  	[hbm4b:s28+s3] =	stream.linear.scatter [tilespmem:s24], [sflag:$0x5], $0x2800, $0x38;
	[tilespmem:$0x12000] =	vst v63  }
0x3b: {  	s23 =	sor.u32 $0x8000, s22;
	_ =	swait.ge [sflag:s9], $0x2800  }
0x3c: {  	s20 =	smin.u32 s20, $0x7C;
	s24 =	sadd.s32 $0x1, s18;
	[sflag:s9] =	ssyncset.done $0x0  }
0x3d: {  	s25 =	sadd.s32 $0x1, s21;
	s20 =	sshll.u32 s20, $0x7;
	[sflag:s9] =	ssyncadd.s32 $0xFFFFD800  }
0x3e: {  	[tilespmem:s23], [sflag:s25] =	stream.indirect.gather [hbm4b:s1+s11], $0x80, s20, s11, $0xb8;
	[tilespmem:$0x12000] =	vst v63  }
0x3f: {  	s26 =	sadd.s32 $0x3, s21;
	s25 =	sadd.s32 $0xD000, s22;
	s20 =	sor.u32 $0x4000, s20  }
0x40: {  	[tilespmem:s25], [sflag:s26] =	stream.indirect.gather [hbm4b:s1+s11], $0x80, s20, s11, $0xb8;
	[tilespmem:$0x12000] =	vst v63  }
0x41: {  	s28 =	smul.u32 $0x2800, s18;
	_ =	swait.ge [sflag:s24], $0x2800  }
0x42: {  	[sflag:s24] =	ssyncset.done $0x0  }
0x43: {  	s29 =	sor.u32 $0x8000, s28;
	[sflag:s24] =	ssyncadd.s32 $0xFFFFD800  }
0x44: {  	[hbm4b:s19+s3] =	stream.linear.scatter [tilespmem:s29], [sflag:$0x5], $0x2800, $0x38;
	[tilespmem:$0x12000] =	vst v63  }
0x45: {  	_ =	swait.ge [sflag:s9], $0x2800  }
0x46: {  	[sflag:s9] =	ssyncset.done $0x0  }
0x47: {  	s30 =	sadd.s32 $0x3, s18;
	[sflag:s9] =	ssyncadd.s32 $0xFFFFD800  }
0x48: {  	_ =	swait.ge [sflag:s30], $0x2800  }
0x49: {  	[sflag:s30] =	ssyncset.done $0x0  }
0x4a: {  	s31 =	sadd.s32 $0xD000, s28;
	[sflag:s30] =	ssyncadd.s32 $0xFFFFD800  }
0x4b: {  	[hbm4b:s17+s3] =	stream.linear.scatter [tilespmem:s31], [sflag:$0x5], $0x2800, $0x38;
	[tilespmem:$0x12000] =	vst v63  }
0x4c: {  	_ =	swait.ge [sflag:s9], $0x2800  }
0x4d: {  	[sflag:s9] =	ssyncset.done $0x0  }
0x4e: {  	s16 =	sadd.s32 $0x1, s16;
	[sflag:s9] =	ssyncadd.s32 $0xFFFFD800  }
0x4f: {  	p0 =	sne.s32 s16, s6;
	_ =	swait.ge [sflag:s14], $0x2800  }
.Ltmp1:
0x50: {  	[sflag:s14] =	ssyncset.done $0x0;
	(pc) =	sbr.rel @p0 .LBB2_1-.Ltmp1, $4  }
0x51: {  	[sflag:s14] =	ssyncadd.s32 $0xFFFFD800  }
0x52: {  	_ =	swait.ge [sflag:s15], $0x2800  }
0x53: {  	[sflag:s15] =	ssyncset.done $0x0  }
0x54: {  	[sflag:s15] =	ssyncadd.s32 $0xFFFFD800  }
0x55: {  	_ =	sfence.sel $0x180000  }
0x56: {  	[bflag:$0x0] =	sbarrier.arrive $0xFFFF  }
0x57: {  	p0 =	sne.s32 s2, $0x0;
	_ =	strace $0x90000047  }
0x58: {  	s0 =	sadd.s32 @!p0 $0x100000, s0;
	[bflag:$0x2] =	sbarrier.arrive $0xFFFF  }
0x59: {  	[sflag:s0] =	ssyncadd.tile.s32 @!p0 $0x1;
	_ =	shalt  }
.Lfunc_end2:
_tile_overlayer_lowered:
.L_overlay_start_2:
0x5a: {  	(tag) =	ssettag $0x2  }
0x5b: {  	s0 =	rddreg [dreg:$0x0];
	s2 =	stileid.u32  }
0x5c: {  	s1 =	rddreg [dreg:$0x1];
	p0 =	sne.s32 s2, $0x0  }
0x5d: {  	s3 =	rddreg [dreg:$0x2];
	[bflag:$0x3] =	sbarrier.arrive $0xFFFF;
	s2 =	simm.s32 @!p0 $0x1C05  }
0x5e: {  	[timem:s3], [sflag:s2] =	dma.local @!p0 [hbm:s0], s1  }
0x5f: {  	s0 =	simm.s32 @!p0 $0x5  }
0x60: {  	_ =	swait.ge @!p0 [sflag:s0], s1  }
0x61: {  	s1 =	ssub.s32 @!p0 $0x0, s1;
	[sflag:s0] =	ssyncset.done @!p0 $0x0  }
0x62: {  	[sflag:s0] =	ssyncadd.s32 @!p0 s1  }
0x63: {  	[bflag:$0x3] =	sbarrier.arrive $0xFFFF  }
0x64: {  	_ =	shalt  }

</sc_bundles>
